<compile_context>
chip_gen: v7x
topology: tpu7x:2x2x1
jax: 0.10.2.dev20260603
libtpu: 0.0.44.dev20260713+nightly
codegen_flags: <defaults>
</compile_context>

<pallas_src>
import functools

import jax
import jax.numpy as jnp
from jax import lax
from jax.experimental import pallas as pl
from jax.experimental.pallas import tpu as pltpu
from jax.experimental.pallas import tpu_sc as plsc

N = 10000
E = 160000
EMB = 64
LOUT = 4
ODIM = 2
HPAD = 8

NC = 2
NS = 16
NW = NC * NS
CH = E // NW
CHG = 1000
RPS = N // NS

BLK = 32000
NBLK = E // BLK
G = 128 // HPAD
PB = BLK * HPAD // 128
EPB = E * HPAD // 128

def _sc_mesh():
    return plsc.VectorSubcoreMesh(core_axis_name="c", subcore_axis_name="s",
                                  num_cores=NC, num_subcores=NS)


@jax.jit
def _sc_gather(h16, src, dst):
    @functools.partial(
        pl.kernel,
        out_type=(jax.ShapeDtypeStruct((E, HPAD), jnp.float32),
                  jax.ShapeDtypeStruct((E, HPAD), jnp.float32)),
        mesh=_sc_mesh(),
        compiler_params=pltpu.CompilerParams(use_tc_tiling_on_sc=False),
        scratch_types=[
            pltpu.VMEM((CH // CHG, CHG), jnp.int32),
            pltpu.VMEM((CH // CHG, CHG), jnp.int32),
            pltpu.VMEM((CHG, HPAD), jnp.float32),
            pltpu.VMEM((CHG, HPAD), jnp.float32),
            pltpu.VMEM((CHG, HPAD), jnp.float32),
            pltpu.VMEM((CHG, HPAD), jnp.float32),
            pltpu.SemaphoreType.DMA,
            [pltpu.SemaphoreType.DMA] * 4,
            [pltpu.SemaphoreType.DMA] * 4,
        ],
    )
    def k(h_hbm, src_hbm, dst_hbm, gdst_hbm, gsrc_hbm,
          idx_d, idx_s, b0, b1, b2, b3, sem_i, sem_g, sem_w):
        wid = lax.axis_index("s") * NC + lax.axis_index("c")
        base = wid * CH
        cpi_d = pltpu.async_copy(dst_hbm.at[wid], idx_d, sem_i)
        cpi_s = pltpu.async_copy(src_hbm.at[wid], idx_s, sem_i)
        cpi_d.wait()
        cpi_s.wait()

        nch = CH // CHG
        nit = 2 * nch
        bufs = (b0, b1, b2, b3)

        def idx_of(j):
            return (idx_d if j < nch else idx_s).at[j % nch]

        def out_of(j):
            ohbm = gdst_hbm if j < nch else gsrc_hbm
            return ohbm.at[pl.ds(base + (j % nch) * CHG, CHG)]

        gath = [pltpu.async_copy(h_hbm.at[idx_of(j)], bufs[j % 4],
                                 sem_g[j % 4]) for j in range(2)]
        wr = []
        for j in range(nit):
            gath[j].wait()
            wr.append(pltpu.async_copy(bufs[j % 4], out_of(j), sem_w[j % 4]))
            if j + 2 < nit:
                if j >= 2:
                    wr[j - 2].wait()
                gath.append(
                    pltpu.async_copy(h_hbm.at[idx_of(j + 2)],
                                     bufs[(j + 2) % 4], sem_g[(j + 2) % 4]))
        for j in range(max(0, nit - 4), nit):
            wr[j].wait()

    return k(h16, src.reshape(NW, CH // CHG, CHG),
             dst.reshape(NW, CH // CHG, CHG))


@jax.jit
def _sc_scatter(payload, dst, zrows):
    @functools.partial(
        pl.kernel,
        out_type=jax.ShapeDtypeStruct((NC, N, HPAD), jnp.float32),
        mesh=_sc_mesh(),
        compiler_params=pltpu.CompilerParams(use_tc_tiling_on_sc=False),
        scratch_types=[
            pltpu.VMEM((CH // CHG, CHG), jnp.int32),
            pltpu.VMEM((CHG, HPAD), jnp.float32),
            pltpu.VMEM((CHG, HPAD), jnp.float32),
            pltpu.VMEM_SHARED((N, HPAD), jnp.float32),
            pltpu.SemaphoreType.DMA,
            pltpu.SemaphoreType.DMA,
        ],
    )
    def k(pay_hbm, dst_hbm, z_hbm, out_hbm, idx_v, buf0, buf1, acc,
          sem_i, sem_p):
        c = lax.axis_index("c")
        s = lax.axis_index("s")
        wid = s * NC + c
        base = wid * CH
        cpz = pltpu.async_copy(z_hbm, acc.at[pl.ds(s * RPS, RPS)], sem_i)
        cpi = pltpu.async_copy(dst_hbm.at[wid], idx_v, sem_i)
        nch = CH // CHG
        bufs = (buf0, buf1)
        loads = [pltpu.async_copy(pay_hbm.at[pl.ds(base + j * CHG, CHG)],
                                  bufs[j % 2], sem_p) for j in range(2)]
        cpz.wait()
        cpi.wait()
        plsc.subcore_barrier()
        for j in range(nch):
            loads[j].wait()
            pltpu.sync_copy(bufs[j % 2], acc.at[idx_v.at[j]], add=True)
            if j + 2 < nch:
                loads.append(
                    pltpu.async_copy(pay_hbm.at[pl.ds(base + (j + 2) * CHG,
                                                      CHG)],
                                     bufs[j % 2], sem_p))
        plsc.subcore_barrier()
        pltpu.sync_copy(acc.at[pl.ds(s * RPS, RPS)],
                        out_hbm.at[c].at[pl.ds(s * RPS, RPS)])

    return k(payload, dst.reshape(NW, CH // CHG, CHG), zrows)


def _unpack(xp):
    t = jnp.transpose(xp)
    return jnp.concatenate(
        [t[HPAD * g:HPAD * (g + 1), :] for g in range(G)], axis=1)


def _pack(x):
    t = jnp.concatenate(
        [x[:, PB * g:PB * (g + 1)] for g in range(G)], axis=0)
    return jnp.transpose(t)


def _mm(w, x):
    return lax.dot_general(w, x, (((0,), (0,)), ((), ())),
                           preferred_element_type=jnp.float32)


def _edge_mlp_body(gdst, gsrc, w0, w1, w2, w3, auxt, out_ref,
                   act, stats):
    p = pl.program_id(0)
    i = pl.program_id(1)
    blk = pl.ds(i * BLK, BLK)
    inv_e = 1.0 / E

    @pl.when((p == 0) & (i == 0))
    def _():
        stats[...] = jnp.zeros_like(stats)

    def bn_tanh(x, li, g_col, h_col):
        m = stats[:, 2 * li:2 * li + 1] * inv_e
        v = stats[:, 2 * li + 1:2 * li + 2] * inv_e - m * m
        a = auxt[:, g_col:g_col + 1] * jax.lax.rsqrt(v + 1e-5)
        cc = auxt[:, h_col:h_col + 1] - m * a
        return jnp.tanh(x * a + cc)

    def put_stats(li, x):
        stats[:, 2 * li:2 * li + 1] += jnp.sum(x, axis=1, keepdims=True)
        stats[:, 2 * li + 1:2 * li + 2] += jnp.sum(x * x, axis=1,
                                                   keepdims=True)

    @pl.when(p == 0)
    def _():
        hdt = _unpack(gdst[...] - gsrc[...])
        x1 = _mm(w0[...], hdt[0:4, :]) + auxt[:, 0:1]
        act[:, blk] = x1
        put_stats(0, x1)

    @pl.when(p == 1)
    def _():
        t1 = bn_tanh(act[:, blk], 0, 1, 2)
        x2 = _mm(w1[...], t1) + auxt[:, 3:4]
        act[:, blk] = x2
        put_stats(1, x2)

    @pl.when(p == 2)
    def _():
        t2 = bn_tanh(act[:, blk], 1, 4, 5)
        x3 = _mm(w2[...], t2) + auxt[:, 6:7]
        act[:, blk] = x3
        put_stats(2, x3)

    @pl.when(p == 3)
    def _():
        t3 = bn_tanh(act[:, blk], 2, 7, 8)
        pay4 = _mm(w3[...], t3) + auxt[0:4, 9:10]
        hdt = _unpack(gdst[...] - gsrc[...])
        mask = jnp.all(hdt == 0.0, axis=0, keepdims=True)
        pay4 = jnp.where(mask, 0.0, pay4)
        pay = jnp.concatenate(
            [pay4, jnp.ones((1, BLK), jnp.float32),
             jnp.zeros((HPAD - LOUT - 1, BLK), jnp.float32)], axis=0)
        out_ref[...] = _pack(pay)


@jax.jit
def _tc_edge_mlp(gdst_p, gsrc_p, w0, w1, w2, w3, auxt):
    edge_map = lambda p, i: (jnp.where((p == 0) | (p == 3), i, 0), 0)
    rep = lambda p, i: (0, 0)
    return pl.pallas_call(
        _edge_mlp_body,
        grid=(4, NBLK),
        in_specs=[
            pl.BlockSpec((PB, 128), edge_map),
            pl.BlockSpec((PB, 128), edge_map),
            pl.BlockSpec((4, EMB), rep),
            pl.BlockSpec((EMB, EMB), rep),
            pl.BlockSpec((EMB, EMB), rep),
            pl.BlockSpec((EMB, LOUT), rep),
            pl.BlockSpec((EMB, 10), rep),
        ],
        out_specs=pl.BlockSpec((PB, 128),
                               lambda p, i: (jnp.where(p == 3, i, 0), 0)),
        out_shape=jax.ShapeDtypeStruct((EPB, 128), jnp.float32),
        scratch_shapes=[
            pltpu.VMEM((EMB, E), jnp.float32),
            pltpu.VMEM((EMB, 8), jnp.float32),
        ],
    )(gdst_p, gsrc_p, w0, w1, w2, w3, auxt)


NPB = N * HPAD // 128


def _node_mlp_body(parts, wu0, wu1, wu2, wu3, auxu, tailt, wp, out_ref):
    def unpack_n(xp):
        t = jnp.transpose(xp)
        return jnp.concatenate(
            [t[HPAD * g:HPAD * (g + 1), :] for g in range(G)], axis=1)

    s = unpack_n(parts[0]) + unpack_n(parts[1])
    cnt = jnp.maximum(s[LOUT:LOUT + 1, :], 1.0)
    aggr = jnp.concatenate([s[0:2, :], s[2:4, :] / cnt], axis=0)

    def bn_tanh(x, g, h):
        m = jnp.mean(x, axis=1, keepdims=True)
        v = jnp.mean((x - m) * (x - m), axis=1, keepdims=True)
        a = g * jax.lax.rsqrt(v + 1e-5)
        return jnp.tanh(x * a + (h - m * a))

    x = _mm(wu0[...], aggr) + auxu[:, 0:1]
    x = bn_tanh(x, auxu[:, 1:2], auxu[:, 2:3])
    x = _mm(wu1[...], x) + auxu[:, 3:4]
    x = bn_tanh(x, auxu[:, 4:5], auxu[:, 5:6])
    x = _mm(wu2[...], x) + auxu[:, 6:7]
    x = bn_tanh(x, auxu[:, 7:8], auxu[:, 8:9])
    x = _mm(wu3[...], x) + tailt[:, 0:1]
    x = bn_tanh(x, tailt[:, 1:2], tailt[:, 2:3])
    o = _mm(wp[...], x) + tailt[0:ODIM, 3:4]
    o16 = jnp.concatenate(
        [o, jnp.zeros((HPAD - ODIM, N), jnp.float32)], axis=0)
    t = jnp.concatenate(
        [o16[:, NPB * g:NPB * (g + 1)] for g in range(G)], axis=0)
    out_ref[...] = jnp.transpose(t)


@jax.jit
def _tc_node_mlp(parts, wu0, wu1, wu2, wu3, auxu, tailt, wp):
    return pl.pallas_call(
        _node_mlp_body,
        out_shape=jax.ShapeDtypeStruct((NPB, 128), jnp.float32),
    )(parts, wu0, wu1, wu2, wu3, auxu, tailt, wp)


def kernel(pos, vel, edge_index, params):
    f32 = jnp.float32
    h16 = jnp.concatenate(
        [pos, vel, jnp.zeros((N, HPAD - 4), f32)], axis=1)
    src = edge_index[0]
    dst = edge_index[1]

    auxt = jnp.stack([
        params['bm0'], params['gm1'], params['hm1'],
        params['bm1'], params['gm2'], params['hm2'],
        params['bm2'], params['gm3'], params['hm3'],
        jnp.concatenate([params['bm3'], jnp.zeros((EMB - LOUT,), f32)]),
    ], axis=1)

    auxu = jnp.stack([
        params['bu0'], params['gu1'], params['hu1'],
        params['bu1'], params['gu2'], params['hu2'],
        params['bu2'], params['gu3'], params['hu3'],
    ], axis=1)
    tailt = jnp.stack([
        params['bu3'], params['gu4'], params['hu4'],
        jnp.concatenate([params['bp'], jnp.zeros((LOUT - ODIM,), f32)]),
    ], axis=1)

    gdst, gsrc = _sc_gather(h16, src, dst)
    payload_p = _tc_edge_mlp(gdst.reshape(EPB, 128),
                             gsrc.reshape(EPB, 128),
                             params['Wm0'], params['Wm1'],
                             params['Wm2'], params['Wm3'], auxt)
    zrows = jnp.zeros((RPS, HPAD), f32)
    parts = _sc_scatter(payload_p.reshape(E, HPAD), dst, zrows)
    out = _tc_node_mlp(parts.reshape(NC, NPB, 128), params['Wu0'],
                       params['Wu1'], params['Wu2'], params['Wu3'],
                       auxu, tailt, params['Wp'])
    return out.reshape(N, HPAD)[:, :ODIM]

# --- scband reference (transcript-rebuilt; emitter-appended) ---
"""Pipeline reference for scband-biased-mpnnflocking-model-53644141527378 (READ-ONLY COPY).

The authoritative reference and input builder live on the scoring server;
editing this copy changes nothing except your own understanding.
"""

import jax, jax.numpy as jnp
import numpy as np

N = 10000
E = 160000
EMB = 64
LOUT = 4
ODIM = 2

def _bn(x, g, b):
    m = jnp.mean(x, axis=0)
    v = jnp.var(x, axis=0)
    return g * (x - m) / jnp.sqrt(v + 1e-5) + b

def _mlp_msg(x, p):
    x = x @ p['Wm0'] + p['bm0']
    x = jnp.tanh(_bn(x, p['gm1'], p['hm1']))
    x = x @ p['Wm1'] + p['bm1']
    x = jnp.tanh(_bn(x, p['gm2'], p['hm2']))
    x = x @ p['Wm2'] + p['bm2']
    x = jnp.tanh(_bn(x, p['gm3'], p['hm3']))
    x = x @ p['Wm3'] + p['bm3']
    return x

def _mlp_upd(x, p):
    x = x @ p['Wu0'] + p['bu0']
    x = jnp.tanh(_bn(x, p['gu1'], p['hu1']))
    x = x @ p['Wu1'] + p['bu1']
    x = jnp.tanh(_bn(x, p['gu2'], p['hu2']))
    x = x @ p['Wu2'] + p['bu2']
    x = jnp.tanh(_bn(x, p['gu3'], p['hu3']))
    x = x @ p['Wu3'] + p['bu3']
    x = jnp.tanh(_bn(x, p['gu4'], p['hu4']))
    return x

def setup_inputs(seed: int = 0):
    key = jax.random.key(seed)
    ks = jax.random.split(key, 16)
    pos = jax.random.normal(ks[0], (N, 2), dtype=jnp.float32)
    vel = jax.random.normal(ks[1], (N, 2), dtype=jnp.float32)
    edge_index = jax.random.randint(ks[2], (2, E), 0, N, dtype=jnp.int32)
    def lin(k, fi, fo):
        return jax.random.normal(k, (fi, fo), dtype=jnp.float32) * (1.0 / np.sqrt(fi))
    z = lambda d: jnp.zeros((d,), dtype=jnp.float32)
    o = lambda d: jnp.ones((d,), dtype=jnp.float32)
    params = {
        'Wm0': lin(ks[3], 4, EMB), 'bm0': z(EMB), 'gm1': o(EMB), 'hm1': z(EMB),
        'Wm1': lin(ks[4], EMB, EMB), 'bm1': z(EMB), 'gm2': o(EMB), 'hm2': z(EMB),
        'Wm2': lin(ks[5], EMB, EMB), 'bm2': z(EMB), 'gm3': o(EMB), 'hm3': z(EMB),
        'Wm3': lin(ks[6], EMB, LOUT), 'bm3': z(LOUT),
        'Wu0': lin(ks[7], LOUT, EMB), 'bu0': z(EMB), 'gu1': o(EMB), 'hu1': z(EMB),
        'Wu1': lin(ks[8], EMB, EMB), 'bu1': z(EMB), 'gu2': o(EMB), 'hu2': z(EMB),
        'Wu2': lin(ks[9], EMB, EMB), 'bu2': z(EMB), 'gu3': o(EMB), 'hu3': z(EMB),
        'Wu3': lin(ks[10], EMB, LOUT), 'bu3': z(LOUT), 'gu4': o(LOUT), 'hu4': z(LOUT),
        'Wp': lin(ks[11], LOUT, ODIM), 'bp': z(ODIM),
    }
    return {'pos': pos, 'vel': vel, 'edge_index': edge_index, 'params': params}

def reference(pos, vel, edge_index, params):
    h = jnp.concatenate([pos, vel], axis=-1)
    src = edge_index[0]
    dst = edge_index[1]
    h_dif = h[dst] - h[src]
    msg = _mlp_msg(h_dif, params)
    mask = jnp.all(h_dif == 0.0, axis=1)
    msg = jnp.where(mask[:, None], 0.0, msg)
    n = h.shape[0]
    add_out = jax.ops.segment_sum(msg[:, :LOUT // 2], dst, num_segments=n)
    sums = jax.ops.segment_sum(msg[:, LOUT // 2:], dst, num_segments=n)
    cnt = jax.ops.segment_sum(jnp.ones((msg.shape[0],), dtype=jnp.float32), dst, num_segments=n)
    mean_out = sums / jnp.maximum(cnt, 1.0)[:, None]
    aggr = jnp.concatenate([add_out, mean_out], axis=1)
    upd = _mlp_upd(aggr, params)
    return upd @ params['Wp'] + params['bp']

if __name__ == "__main__":
    import jax
    _d = setup_inputs()
    print(jax.jit(kernel)(*tuple(_d.values())))

</pallas_src>

<mosaic_0001>
#map = affine_map<(d0, d1) -> (0, 0)>
#map1 = affine_map<(d0, d1) -> (0, 0, 0)>
module attributes {stable_mosaic.version = 14 : i64} {
  func.func @k(%arg0: i32, %arg1: i32, %arg2: memref<10000x8xf32, #tpu.memory_space<hbm>>, %arg3: memref<32x5x1000xi32, #tpu.memory_space<hbm>>, %arg4: memref<32x5x1000xi32, #tpu.memory_space<hbm>>, %arg5: memref<160000x8xf32, #tpu.memory_space<hbm>>, %arg6: memref<160000x8xf32, #tpu.memory_space<hbm>>, %arg7: memref<5x1000xi32, #tpu.memory_space<vmem>>, %arg8: memref<5x1000xi32, #tpu.memory_space<vmem>>, %arg9: memref<1000x8xf32, #tpu.memory_space<vmem>>, %arg10: memref<1000x8xf32, #tpu.memory_space<vmem>>, %arg11: memref<1000x8xf32, #tpu.memory_space<vmem>>, %arg12: memref<1000x8xf32, #tpu.memory_space<vmem>>, %arg13: memref<!tpu.dma_semaphore, #tpu.memory_space<semaphore_mem>>, %arg14: memref<!tpu.dma_semaphore, #tpu.memory_space<semaphore_mem>>, %arg15: memref<!tpu.dma_semaphore, #tpu.memory_space<semaphore_mem>>, %arg16: memref<!tpu.dma_semaphore, #tpu.memory_space<semaphore_mem>>, %arg17: memref<!tpu.dma_semaphore, #tpu.memory_space<semaphore_mem>>, %arg18: memref<!tpu.dma_semaphore, #tpu.memory_space<semaphore_mem>>, %arg19: memref<!tpu.dma_semaphore, #tpu.memory_space<semaphore_mem>>, %arg20: memref<!tpu.dma_semaphore, #tpu.memory_space<semaphore_mem>>, %arg21: memref<!tpu.dma_semaphore, #tpu.memory_space<semaphore_mem>>) attributes {dimension_semantics = [#tpu.dimension_semantics<core_parallel>, #tpu.dimension_semantics<subcore_parallel>], iteration_bounds = array<i64: 2, 16>, scalar_prefetch = 0 : i64, scratch_operands = 15 : i64, tpu.core_type = #tpu.core_type<sc_vector_subcore>, window_params = [{transform_indices = #map}, {transform_indices = #map1}, {transform_indices = #map1}, {transform_indices = #map}, {transform_indices = #map}]} {
    %mul3A = arith.constant 2 : i32
    %mul3A_0 = arith.muli %arg1, %mul3A : i32
    %add3A = arith.addi %mul3A_0, %arg0 : i32
    %mul3A_1 = arith.constant 5000 : i32
    %mul3A_2 = arith.muli %add3A, %mul3A_1 : i32
    %dma_start3A = arith.constant 0 : i32
    %dma_start3A_3 = arith.constant 0 : i32
    %dma_start3A_4 = tpu.memref_slice %arg4[%add3A, %dma_start3A, %dma_start3A_3] : memref<32x5x1000xi32, #tpu.memory_space<hbm>> -> memref<1x5x1000xi32, #tpu.memory_space<hbm>>
    %dma_start3A_5 = tpu.memref_squeeze %dma_start3A_4 : memref<1x5x1000xi32, #tpu.memory_space<hbm>> -> memref<5x1000xi32, #tpu.memory_space<hbm>>
    %dma_start3A_6 = arith.constant 0 : i32
    %dma_start3A_7 = arith.constant 0 : i32
    %dma_start3A_8 = tpu.memref_slice %arg4[%add3A, %dma_start3A_6, %dma_start3A_7] : memref<32x5x1000xi32, #tpu.memory_space<hbm>> -> memref<1x5x1000xi32, #tpu.memory_space<hbm>>
    %dma_start3A_9 = tpu.memref_squeeze %dma_start3A_8 : memref<1x5x1000xi32, #tpu.memory_space<hbm>> -> memref<5x1000xi32, #tpu.memory_space<hbm>>
    tpu.enqueue_dma source(%dma_start3A_9 : memref<5x1000xi32, #tpu.memory_space<hbm>>) target(%arg7 : memref<5x1000xi32, #tpu.memory_space<vmem>>) target_semaphore(%arg13 : memref<!tpu.dma_semaphore, #tpu.memory_space<semaphore_mem>>)
    %dma_start3A_10 = arith.constant 0 : i32
    %dma_start3A_11 = arith.constant 0 : i32
    %dma_start3A_12 = tpu.memref_slice %arg3[%add3A, %dma_start3A_10, %dma_start3A_11] : memref<32x5x1000xi32, #tpu.memory_space<hbm>> -> memref<1x5x1000xi32, #tpu.memory_space<hbm>>
    %dma_start3A_13 = tpu.memref_squeeze %dma_start3A_12 : memref<1x5x1000xi32, #tpu.memory_space<hbm>> -> memref<5x1000xi32, #tpu.memory_space<hbm>>
    %dma_start3A_14 = arith.constant 0 : i32
    %dma_start3A_15 = arith.constant 0 : i32
    %dma_start3A_16 = tpu.memref_slice %arg3[%add3A, %dma_start3A_14, %dma_start3A_15] : memref<32x5x1000xi32, #tpu.memory_space<hbm>> -> memref<1x5x1000xi32, #tpu.memory_space<hbm>>
    %dma_start3A_17 = tpu.memref_squeeze %dma_start3A_16 : memref<1x5x1000xi32, #tpu.memory_space<hbm>> -> memref<5x1000xi32, #tpu.memory_space<hbm>>
    tpu.enqueue_dma source(%dma_start3A_17 : memref<5x1000xi32, #tpu.memory_space<hbm>>) target(%arg8 : memref<5x1000xi32, #tpu.memory_space<vmem>>) target_semaphore(%arg13 : memref<!tpu.dma_semaphore, #tpu.memory_space<semaphore_mem>>)
    %dma_wait3A = arith.constant 0 : i32
    %dma_wait3A_18 = arith.constant 0 : i32
    %dma_wait3A_19 = tpu.memref_slice %arg4[%add3A, %dma_wait3A, %dma_wait3A_18] : memref<32x5x1000xi32, #tpu.memory_space<hbm>> -> memref<1x5x1000xi32, #tpu.memory_space<hbm>>
    %dma_wait3A_20 = tpu.memref_squeeze %dma_wait3A_19 : memref<1x5x1000xi32, #tpu.memory_space<hbm>> -> memref<5x1000xi32, #tpu.memory_space<hbm>>
    %dma_wait3A_21 = arith.constant 0 : i32
    %dma_wait3A_22 = arith.constant 0 : i32
    %dma_wait3A_23 = tpu.memref_slice %arg4[%add3A, %dma_wait3A_21, %dma_wait3A_22] : memref<32x5x1000xi32, #tpu.memory_space<hbm>> -> memref<1x5x1000xi32, #tpu.memory_space<hbm>>
    %dma_wait3A_24 = tpu.memref_squeeze %dma_wait3A_23 : memref<1x5x1000xi32, #tpu.memory_space<hbm>> -> memref<5x1000xi32, #tpu.memory_space<hbm>>
    tpu.wait_dma2 semaphore(%arg13 : memref<!tpu.dma_semaphore, #tpu.memory_space<semaphore_mem>>) src(%dma_wait3A_24 : memref<5x1000xi32, #tpu.memory_space<hbm>>) dst(%arg7 : memref<5x1000xi32, #tpu.memory_space<vmem>>)
    %dma_wait3A_25 = arith.constant 0 : i32
    %dma_wait3A_26 = arith.constant 0 : i32
    %dma_wait3A_27 = tpu.memref_slice %arg3[%add3A, %dma_wait3A_25, %dma_wait3A_26] : memref<32x5x1000xi32, #tpu.memory_space<hbm>> -> memref<1x5x1000xi32, #tpu.memory_space<hbm>>
    %dma_wait3A_28 = tpu.memref_squeeze %dma_wait3A_27 : memref<1x5x1000xi32, #tpu.memory_space<hbm>> -> memref<5x1000xi32, #tpu.memory_space<hbm>>
    %dma_wait3A_29 = arith.constant 0 : i32
    %dma_wait3A_30 = arith.constant 0 : i32
    %dma_wait3A_31 = tpu.memref_slice %arg3[%add3A, %dma_wait3A_29, %dma_wait3A_30] : memref<32x5x1000xi32, #tpu.memory_space<hbm>> -> memref<1x5x1000xi32, #tpu.memory_space<hbm>>
    %dma_wait3A_32 = tpu.memref_squeeze %dma_wait3A_31 : memref<1x5x1000xi32, #tpu.memory_space<hbm>> -> memref<5x1000xi32, #tpu.memory_space<hbm>>
    tpu.wait_dma2 semaphore(%arg13 : memref<!tpu.dma_semaphore, #tpu.memory_space<semaphore_mem>>) src(%dma_wait3A_32 : memref<5x1000xi32, #tpu.memory_space<hbm>>) dst(%arg8 : memref<5x1000xi32, #tpu.memory_space<vmem>>)
    %dma_start3A_33 = arith.constant 0 : i32
    %dma_start3A_34 = arith.constant 0 : i32
    %dma_start3A_35 = tpu.memref_slice %arg7[%dma_start3A_33, %dma_start3A_34] : memref<5x1000xi32, #tpu.memory_space<vmem>> -> memref<1x1000xi32, #tpu.memory_space<vmem>>
    %dma_start3A_36 = tpu.memref_squeeze %dma_start3A_35 : memref<1x1000xi32, #tpu.memory_space<vmem>> -> memref<1000xi32, #tpu.memory_space<vmem>>
    %dma_start3A_37 = arith.constant 0 : i32
    %dma_start3A_38 = arith.constant 0 : i32
    %dma_start3A_39 = tpu.memref_slice %arg2[%dma_start3A_37, %dma_start3A_38] : memref<10000x8xf32, #tpu.memory_space<hbm>> -> memref<10000x8xf32, #tpu.memory_space<hbm>>
    tpu.enqueue_indirect_dma source(%dma_start3A_39 : memref<10000x8xf32, #tpu.memory_space<hbm>>) target(%arg9 : memref<1000x8xf32, #tpu.memory_space<vmem>>) offsets(%dma_start3A_36 : memref<1000xi32, #tpu.memory_space<vmem>>) semaphore(%arg14 : memref<!tpu.dma_semaphore, #tpu.memory_space<semaphore_mem>>)
    %dma_start3A_40 = arith.constant 1 : i32
    %dma_start3A_41 = arith.constant 0 : i32
    %dma_start3A_42 = tpu.memref_slice %arg7[%dma_start3A_40, %dma_start3A_41] : memref<5x1000xi32, #tpu.memory_space<vmem>> -> memref<1x1000xi32, #tpu.memory_space<vmem>>
    %dma_start3A_43 = tpu.memref_squeeze %dma_start3A_42 : memref<1x1000xi32, #tpu.memory_space<vmem>> -> memref<1000xi32, #tpu.memory_space<vmem>>
    %dma_start3A_44 = arith.constant 0 : i32
    %dma_start3A_45 = arith.constant 0 : i32
    %dma_start3A_46 = tpu.memref_slice %arg2[%dma_start3A_44, %dma_start3A_45] : memref<10000x8xf32, #tpu.memory_space<hbm>> -> memref<10000x8xf32, #tpu.memory_space<hbm>>
    tpu.enqueue_indirect_dma source(%dma_start3A_46 : memref<10000x8xf32, #tpu.memory_space<hbm>>) target(%arg10 : memref<1000x8xf32, #tpu.memory_space<vmem>>) offsets(%dma_start3A_43 : memref<1000xi32, #tpu.memory_space<vmem>>) semaphore(%arg15 : memref<!tpu.dma_semaphore, #tpu.memory_space<semaphore_mem>>)
    %dma_wait3A_47 = arith.constant 0 : i32
    %dma_wait3A_48 = arith.constant 0 : i32
    %dma_wait3A_49 = tpu.memref_slice %arg7[%dma_wait3A_47, %dma_wait3A_48] : memref<5x1000xi32, #tpu.memory_space<vmem>> -> memref<1x1000xi32, #tpu.memory_space<vmem>>
    %dma_wait3A_50 = tpu.memref_squeeze %dma_wait3A_49 : memref<1x1000xi32, #tpu.memory_space<vmem>> -> memref<1000xi32, #tpu.memory_space<vmem>>
    %dma_wait3A_51 = arith.constant 0 : i32
    %dma_wait3A_52 = arith.constant 0 : i32
    %dma_wait3A_53 = tpu.memref_slice %arg2[%dma_wait3A_51, %dma_wait3A_52] : memref<10000x8xf32, #tpu.memory_space<hbm>> -> memref<10000x8xf32, #tpu.memory_space<hbm>>
    tpu.wait_indirect_dma semaphore(%arg14 : memref<!tpu.dma_semaphore, #tpu.memory_space<semaphore_mem>>) src(%dma_wait3A_53 : memref<10000x8xf32, #tpu.memory_space<hbm>>) dst(%arg9 : memref<1000x8xf32, #tpu.memory_space<vmem>>)
    %add3A_54 = arith.constant 0 : i32
    %add3A_55 = arith.addi %mul3A_2, %add3A_54 : i32
    %dma_start3A_56 = arith.constant 0 : i32
    %dma_start3A_57 = tpu.memref_slice %arg5[%add3A_55, %dma_start3A_56] : memref<160000x8xf32, #tpu.memory_space<hbm>> -> memref<1000x8xf32, #tpu.memory_space<hbm>>
    %dma_start3A_58 = arith.constant 0 : i32
    %dma_start3A_59 = tpu.memref_slice %arg5[%add3A_55, %dma_start3A_58] : memref<160000x8xf32, #tpu.memory_space<hbm>> -> memref<1000x8xf32, #tpu.memory_space<hbm>>
    tpu.enqueue_dma source(%arg9 : memref<1000x8xf32, #tpu.memory_space<vmem>>) target(%dma_start3A_59 : memref<1000x8xf32, #tpu.memory_space<hbm>>) target_semaphore(%arg18 : memref<!tpu.dma_semaphore, #tpu.memory_space<semaphore_mem>>)
    %dma_start3A_60 = arith.constant 2 : i32
    %dma_start3A_61 = arith.constant 0 : i32
    %dma_start3A_62 = tpu.memref_slice %arg7[%dma_start3A_60, %dma_start3A_61] : memref<5x1000xi32, #tpu.memory_space<vmem>> -> memref<1x1000xi32, #tpu.memory_space<vmem>>
    %dma_start3A_63 = tpu.memref_squeeze %dma_start3A_62 : memref<1x1000xi32, #tpu.memory_space<vmem>> -> memref<1000xi32, #tpu.memory_space<vmem>>
    %dma_start3A_64 = arith.constant 0 : i32
    %dma_start3A_65 = arith.constant 0 : i32
    %dma_start3A_66 = tpu.memref_slice %arg2[%dma_start3A_64, %dma_start3A_65] : memref<10000x8xf32, #tpu.memory_space<hbm>> -> memref<10000x8xf32, #tpu.memory_space<hbm>>
    tpu.enqueue_indirect_dma source(%dma_start3A_66 : memref<10000x8xf32, #tpu.memory_space<hbm>>) target(%arg11 : memref<1000x8xf32, #tpu.memory_space<vmem>>) offsets(%dma_start3A_63 : memref<1000xi32, #tpu.memory_space<vmem>>) semaphore(%arg16 : memref<!tpu.dma_semaphore, #tpu.memory_space<semaphore_mem>>)
    %dma_wait3A_67 = arith.constant 1 : i32
    %dma_wait3A_68 = arith.constant 0 : i32
    %dma_wait3A_69 = tpu.memref_slice %arg7[%dma_wait3A_67, %dma_wait3A_68] : memref<5x1000xi32, #tpu.memory_space<vmem>> -> memref<1x1000xi32, #tpu.memory_space<vmem>>
    %dma_wait3A_70 = tpu.memref_squeeze %dma_wait3A_69 : memref<1x1000xi32, #tpu.memory_space<vmem>> -> memref<1000xi32, #tpu.memory_space<vmem>>
    %dma_wait3A_71 = arith.constant 0 : i32
    %dma_wait3A_72 = arith.constant 0 : i32
    %dma_wait3A_73 = tpu.memref_slice %arg2[%dma_wait3A_71, %dma_wait3A_72] : memref<10000x8xf32, #tpu.memory_space<hbm>> -> memref<10000x8xf32, #tpu.memory_space<hbm>>
    tpu.wait_indirect_dma semaphore(%arg15 : memref<!tpu.dma_semaphore, #tpu.memory_space<semaphore_mem>>) src(%dma_wait3A_73 : memref<10000x8xf32, #tpu.memory_space<hbm>>) dst(%arg10 : memref<1000x8xf32, #tpu.memory_space<vmem>>)
    %add3A_74 = arith.constant 1000 : i32
    %add3A_75 = arith.addi %mul3A_2, %add3A_74 : i32
    %dma_start3A_76 = arith.constant 0 : i32
    %dma_start3A_77 = tpu.memref_slice %arg5[%add3A_75, %dma_start3A_76] : memref<160000x8xf32, #tpu.memory_space<hbm>> -> memref<1000x8xf32, #tpu.memory_space<hbm>>
    %dma_start3A_78 = arith.constant 0 : i32
    %dma_start3A_79 = tpu.memref_slice %arg5[%add3A_75, %dma_start3A_78] : memref<160000x8xf32, #tpu.memory_space<hbm>> -> memref<1000x8xf32, #tpu.memory_space<hbm>>
    tpu.enqueue_dma source(%arg10 : memref<1000x8xf32, #tpu.memory_space<vmem>>) target(%dma_start3A_79 : memref<1000x8xf32, #tpu.memory_space<hbm>>) target_semaphore(%arg19 : memref<!tpu.dma_semaphore, #tpu.memory_space<semaphore_mem>>)
    %dma_start3A_80 = arith.constant 3 : i32
    %dma_start3A_81 = arith.constant 0 : i32
    %dma_start3A_82 = tpu.memref_slice %arg7[%dma_start3A_80, %dma_start3A_81] : memref<5x1000xi32, #tpu.memory_space<vmem>> -> memref<1x1000xi32, #tpu.memory_space<vmem>>
    %dma_start3A_83 = tpu.memref_squeeze %dma_start3A_82 : memref<1x1000xi32, #tpu.memory_space<vmem>> -> memref<1000xi32, #tpu.memory_space<vmem>>
    %dma_start3A_84 = arith.constant 0 : i32
    %dma_start3A_85 = arith.constant 0 : i32
    %dma_start3A_86 = tpu.memref_slice %arg2[%dma_start3A_84, %dma_start3A_85] : memref<10000x8xf32, #tpu.memory_space<hbm>> -> memref<10000x8xf32, #tpu.memory_space<hbm>>
    tpu.enqueue_indirect_dma source(%dma_start3A_86 : memref<10000x8xf32, #tpu.memory_space<hbm>>) target(%arg12 : memref<1000x8xf32, #tpu.memory_space<vmem>>) offsets(%dma_start3A_83 : memref<1000xi32, #tpu.memory_space<vmem>>) semaphore(%arg17 : memref<!tpu.dma_semaphore, #tpu.memory_space<semaphore_mem>>)
    %dma_wait3A_87 = arith.constant 2 : i32
    %dma_wait3A_88 = arith.constant 0 : i32
    %dma_wait3A_89 = tpu.memref_slice %arg7[%dma_wait3A_87, %dma_wait3A_88] : memref<5x1000xi32, #tpu.memory_space<vmem>> -> memref<1x1000xi32, #tpu.memory_space<vmem>>
    %dma_wait3A_90 = tpu.memref_squeeze %dma_wait3A_89 : memref<1x1000xi32, #tpu.memory_space<vmem>> -> memref<1000xi32, #tpu.memory_space<vmem>>
    %dma_wait3A_91 = arith.constant 0 : i32
    %dma_wait3A_92 = arith.constant 0 : i32
    %dma_wait3A_93 = tpu.memref_slice %arg2[%dma_wait3A_91, %dma_wait3A_92] : memref<10000x8xf32, #tpu.memory_space<hbm>> -> memref<10000x8xf32, #tpu.memory_space<hbm>>
    tpu.wait_indirect_dma semaphore(%arg16 : memref<!tpu.dma_semaphore, #tpu.memory_space<semaphore_mem>>) src(%dma_wait3A_93 : memref<10000x8xf32, #tpu.memory_space<hbm>>) dst(%arg11 : memref<1000x8xf32, #tpu.memory_space<vmem>>)
    %add3A_94 = arith.constant 2000 : i32
    %add3A_95 = arith.addi %mul3A_2, %add3A_94 : i32
    %dma_start3A_96 = arith.constant 0 : i32
    %dma_start3A_97 = tpu.memref_slice %arg5[%add3A_95, %dma_start3A_96] : memref<160000x8xf32, #tpu.memory_space<hbm>> -> memref<1000x8xf32, #tpu.memory_space<hbm>>
    %dma_start3A_98 = arith.constant 0 : i32
    %dma_start3A_99 = tpu.memref_slice %arg5[%add3A_95, %dma_start3A_98] : memref<160000x8xf32, #tpu.memory_space<hbm>> -> memref<1000x8xf32, #tpu.memory_space<hbm>>
    tpu.enqueue_dma source(%arg11 : memref<1000x8xf32, #tpu.memory_space<vmem>>) target(%dma_start3A_99 : memref<1000x8xf32, #tpu.memory_space<hbm>>) target_semaphore(%arg20 : memref<!tpu.dma_semaphore, #tpu.memory_space<semaphore_mem>>)
    %dma_wait3A_100 = arith.constant 0 : i32
    %dma_wait3A_101 = tpu.memref_slice %arg5[%add3A_55, %dma_wait3A_100] : memref<160000x8xf32, #tpu.memory_space<hbm>> -> memref<1000x8xf32, #tpu.memory_space<hbm>>
    %dma_wait3A_102 = arith.constant 0 : i32
    %dma_wait3A_103 = tpu.memref_slice %arg5[%add3A_55, %dma_wait3A_102] : memref<160000x8xf32, #tpu.memory_space<hbm>> -> memref<1000x8xf32, #tpu.memory_space<hbm>>
    tpu.wait_dma2 semaphore(%arg18 : memref<!tpu.dma_semaphore, #tpu.memory_space<semaphore_mem>>) src(%arg9 : memref<1000x8xf32, #tpu.memory_space<vmem>>) dst(%dma_wait3A_103 : memref<1000x8xf32, #tpu.memory_space<hbm>>)
    %dma_start3A_104 = arith.constant 4 : i32
    %dma_start3A_105 = arith.constant 0 : i32
    %dma_start3A_106 = tpu.memref_slice %arg7[%dma_start3A_104, %dma_start3A_105] : memref<5x1000xi32, #tpu.memory_space<vmem>> -> memref<1x1000xi32, #tpu.memory_space<vmem>>
    %dma_start3A_107 = tpu.memref_squeeze %dma_start3A_106 : memref<1x1000xi32, #tpu.memory_space<vmem>> -> memref<1000xi32, #tpu.memory_space<vmem>>
    %dma_start3A_108 = arith.constant 0 : i32
    %dma_start3A_109 = arith.constant 0 : i32
    %dma_start3A_110 = tpu.memref_slice %arg2[%dma_start3A_108, %dma_start3A_109] : memref<10000x8xf32, #tpu.memory_space<hbm>> -> memref<10000x8xf32, #tpu.memory_space<hbm>>
    tpu.enqueue_indirect_dma source(%dma_start3A_110 : memref<10000x8xf32, #tpu.memory_space<hbm>>) target(%arg9 : memref<1000x8xf32, #tpu.memory_space<vmem>>) offsets(%dma_start3A_107 : memref<1000xi32, #tpu.memory_space<vmem>>) semaphore(%arg14 : memref<!tpu.dma_semaphore, #tpu.memory_space<semaphore_mem>>)
    %dma_wait3A_111 = arith.constant 3 : i32
    %dma_wait3A_112 = arith.constant 0 : i32
    %dma_wait3A_113 = tpu.memref_slice %arg7[%dma_wait3A_111, %dma_wait3A_112] : memref<5x1000xi32, #tpu.memory_space<vmem>> -> memref<1x1000xi32, #tpu.memory_space<vmem>>
    %dma_wait3A_114 = tpu.memref_squeeze %dma_wait3A_113 : memref<1x1000xi32, #tpu.memory_space<vmem>> -> memref<1000xi32, #tpu.memory_space<vmem>>
    %dma_wait3A_115 = arith.constant 0 : i32
    %dma_wait3A_116 = arith.constant 0 : i32
    %dma_wait3A_117 = tpu.memref_slice %arg2[%dma_wait3A_115, %dma_wait3A_116] : memref<10000x8xf32, #tpu.memory_space<hbm>> -> memref<10000x8xf32, #tpu.memory_space<hbm>>
    tpu.wait_indirect_dma semaphore(%arg17 : memref<!tpu.dma_semaphore, #tpu.memory_space<semaphore_mem>>) src(%dma_wait3A_117 : memref<10000x8xf32, #tpu.memory_space<hbm>>) dst(%arg12 : memref<1000x8xf32, #tpu.memory_space<vmem>>)
    %add3A_118 = arith.constant 3000 : i32
    %add3A_119 = arith.addi %mul3A_2, %add3A_118 : i32
    %dma_start3A_120 = arith.constant 0 : i32
    %dma_start3A_121 = tpu.memref_slice %arg5[%add3A_119, %dma_start3A_120] : memref<160000x8xf32, #tpu.memory_space<hbm>> -> memref<1000x8xf32, #tpu.memory_space<hbm>>
    %dma_start3A_122 = arith.constant 0 : i32
    %dma_start3A_123 = tpu.memref_slice %arg5[%add3A_119, %dma_start3A_122] : memref<160000x8xf32, #tpu.memory_space<hbm>> -> memref<1000x8xf32, #tpu.memory_space<hbm>>
    tpu.enqueue_dma source(%arg12 : memref<1000x8xf32, #tpu.memory_space<vmem>>) target(%dma_start3A_123 : memref<1000x8xf32, #tpu.memory_space<hbm>>) target_semaphore(%arg21 : memref<!tpu.dma_semaphore, #tpu.memory_space<semaphore_mem>>)
    %dma_wait3A_124 = arith.constant 0 : i32
    %dma_wait3A_125 = tpu.memref_slice %arg5[%add3A_75, %dma_wait3A_124] : memref<160000x8xf32, #tpu.memory_space<hbm>> -> memref<1000x8xf32, #tpu.memory_space<hbm>>
    %dma_wait3A_126 = arith.constant 0 : i32
    %dma_wait3A_127 = tpu.memref_slice %arg5[%add3A_75, %dma_wait3A_126] : memref<160000x8xf32, #tpu.memory_space<hbm>> -> memref<1000x8xf32, #tpu.memory_space<hbm>>
    tpu.wait_dma2 semaphore(%arg19 : memref<!tpu.dma_semaphore, #tpu.memory_space<semaphore_mem>>) src(%arg10 : memref<1000x8xf32, #tpu.memory_space<vmem>>) dst(%dma_wait3A_127 : memref<1000x8xf32, #tpu.memory_space<hbm>>)
    %dma_start3A_128 = arith.constant 0 : i32
    %dma_start3A_129 = arith.constant 0 : i32
    %dma_start3A_130 = tpu.memref_slice %arg8[%dma_start3A_128, %dma_start3A_129] : memref<5x1000xi32, #tpu.memory_space<vmem>> -> memref<1x1000xi32, #tpu.memory_space<vmem>>
    %dma_start3A_131 = tpu.memref_squeeze %dma_start3A_130 : memref<1x1000xi32, #tpu.memory_space<vmem>> -> memref<1000xi32, #tpu.memory_space<vmem>>
    %dma_start3A_132 = arith.constant 0 : i32
    %dma_start3A_133 = arith.constant 0 : i32
    %dma_start3A_134 = tpu.memref_slice %arg2[%dma_start3A_132, %dma_start3A_133] : memref<10000x8xf32, #tpu.memory_space<hbm>> -> memref<10000x8xf32, #tpu.memory_space<hbm>>
    tpu.enqueue_indirect_dma source(%dma_start3A_134 : memref<10000x8xf32, #tpu.memory_space<hbm>>) target(%arg10 : memref<1000x8xf32, #tpu.memory_space<vmem>>) offsets(%dma_start3A_131 : memref<1000xi32, #tpu.memory_space<vmem>>) semaphore(%arg15 : memref<!tpu.dma_semaphore, #tpu.memory_space<semaphore_mem>>)
    %dma_wait3A_135 = arith.constant 4 : i32
    %dma_wait3A_136 = arith.constant 0 : i32
    %dma_wait3A_137 = tpu.memref_slice %arg7[%dma_wait3A_135, %dma_wait3A_136] : memref<5x1000xi32, #tpu.memory_space<vmem>> -> memref<1x1000xi32, #tpu.memory_space<vmem>>
    %dma_wait3A_138 = tpu.memref_squeeze %dma_wait3A_137 : memref<1x1000xi32, #tpu.memory_space<vmem>> -> memref<1000xi32, #tpu.memory_space<vmem>>
    %dma_wait3A_139 = arith.constant 0 : i32
    %dma_wait3A_140 = arith.constant 0 : i32
    %dma_wait3A_141 = tpu.memref_slice %arg2[%dma_wait3A_139, %dma_wait3A_140] : memref<10000x8xf32, #tpu.memory_space<hbm>> -> memref<10000x8xf32, #tpu.memory_space<hbm>>
    tpu.wait_indirect_dma semaphore(%arg14 : memref<!tpu.dma_semaphore, #tpu.memory_space<semaphore_mem>>) src(%dma_wait3A_141 : memref<10000x8xf32, #tpu.memory_space<hbm>>) dst(%arg9 : memref<1000x8xf32, #tpu.memory_space<vmem>>)
    %add3A_142 = arith.constant 4000 : i32
    %add3A_143 = arith.addi %mul3A_2, %add3A_142 : i32
    %dma_start3A_144 = arith.constant 0 : i32
    %dma_start3A_145 = tpu.memref_slice %arg5[%add3A_143, %dma_start3A_144] : memref<160000x8xf32, #tpu.memory_space<hbm>> -> memref<1000x8xf32, #tpu.memory_space<hbm>>
    %dma_start3A_146 = arith.constant 0 : i32
    %dma_start3A_147 = tpu.memref_slice %arg5[%add3A_143, %dma_start3A_146] : memref<160000x8xf32, #tpu.memory_space<hbm>> -> memref<1000x8xf32, #tpu.memory_space<hbm>>
    tpu.enqueue_dma source(%arg9 : memref<1000x8xf32, #tpu.memory_space<vmem>>) target(%dma_start3A_147 : memref<1000x8xf32, #tpu.memory_space<hbm>>) target_semaphore(%arg18 : memref<!tpu.dma_semaphore, #tpu.memory_space<semaphore_mem>>)
    %dma_wait3A_148 = arith.constant 0 : i32
    %dma_wait3A_149 = tpu.memref_slice %arg5[%add3A_95, %dma_wait3A_148] : memref<160000x8xf32, #tpu.memory_space<hbm>> -> memref<1000x8xf32, #tpu.memory_space<hbm>>
    %dma_wait3A_150 = arith.constant 0 : i32
    %dma_wait3A_151 = tpu.memref_slice %arg5[%add3A_95, %dma_wait3A_150] : memref<160000x8xf32, #tpu.memory_space<hbm>> -> memref<1000x8xf32, #tpu.memory_space<hbm>>
    tpu.wait_dma2 semaphore(%arg20 : memref<!tpu.dma_semaphore, #tpu.memory_space<semaphore_mem>>) src(%arg11 : memref<1000x8xf32, #tpu.memory_space<vmem>>) dst(%dma_wait3A_151 : memref<1000x8xf32, #tpu.memory_space<hbm>>)
    %dma_start3A_152 = arith.constant 1 : i32
    %dma_start3A_153 = arith.constant 0 : i32
    %dma_start3A_154 = tpu.memref_slice %arg8[%dma_start3A_152, %dma_start3A_153] : memref<5x1000xi32, #tpu.memory_space<vmem>> -> memref<1x1000xi32, #tpu.memory_space<vmem>>
    %dma_start3A_155 = tpu.memref_squeeze %dma_start3A_154 : memref<1x1000xi32, #tpu.memory_space<vmem>> -> memref<1000xi32, #tpu.memory_space<vmem>>
    %dma_start3A_156 = arith.constant 0 : i32
    %dma_start3A_157 = arith.constant 0 : i32
    %dma_start3A_158 = tpu.memref_slice %arg2[%dma_start3A_156, %dma_start3A_157] : memref<10000x8xf32, #tpu.memory_space<hbm>> -> memref<10000x8xf32, #tpu.memory_space<hbm>>
    tpu.enqueue_indirect_dma source(%dma_start3A_158 : memref<10000x8xf32, #tpu.memory_space<hbm>>) target(%arg11 : memref<1000x8xf32, #tpu.memory_space<vmem>>) offsets(%dma_start3A_155 : memref<1000xi32, #tpu.memory_space<vmem>>) semaphore(%arg16 : memref<!tpu.dma_semaphore, #tpu.memory_space<semaphore_mem>>)
    %dma_wait3A_159 = arith.constant 0 : i32
    %dma_wait3A_160 = arith.constant 0 : i32
    %dma_wait3A_161 = tpu.memref_slice %arg8[%dma_wait3A_159, %dma_wait3A_160] : memref<5x1000xi32, #tpu.memory_space<vmem>> -> memref<1x1000xi32, #tpu.memory_space<vmem>>
    %dma_wait3A_162 = tpu.memref_squeeze %dma_wait3A_161 : memref<1x1000xi32, #tpu.memory_space<vmem>> -> memref<1000xi32, #tpu.memory_space<vmem>>
    %dma_wait3A_163 = arith.constant 0 : i32
    %dma_wait3A_164 = arith.constant 0 : i32
    %dma_wait3A_165 = tpu.memref_slice %arg2[%dma_wait3A_163, %dma_wait3A_164] : memref<10000x8xf32, #tpu.memory_space<hbm>> -> memref<10000x8xf32, #tpu.memory_space<hbm>>
    tpu.wait_indirect_dma semaphore(%arg15 : memref<!tpu.dma_semaphore, #tpu.memory_space<semaphore_mem>>) src(%dma_wait3A_165 : memref<10000x8xf32, #tpu.memory_space<hbm>>) dst(%arg10 : memref<1000x8xf32, #tpu.memory_space<vmem>>)
    %add3A_166 = arith.constant 0 : i32
    %add3A_167 = arith.addi %mul3A_2, %add3A_166 : i32
    %dma_start3A_168 = arith.constant 0 : i32
    %dma_start3A_169 = tpu.memref_slice %arg6[%add3A_167, %dma_start3A_168] : memref<160000x8xf32, #tpu.memory_space<hbm>> -> memref<1000x8xf32, #tpu.memory_space<hbm>>
    %dma_start3A_170 = arith.constant 0 : i32
    %dma_start3A_171 = tpu.memref_slice %arg6[%add3A_167, %dma_start3A_170] : memref<160000x8xf32, #tpu.memory_space<hbm>> -> memref<1000x8xf32, #tpu.memory_space<hbm>>
    tpu.enqueue_dma source(%arg10 : memref<1000x8xf32, #tpu.memory_space<vmem>>) target(%dma_start3A_171 : memref<1000x8xf32, #tpu.memory_space<hbm>>) target_semaphore(%arg19 : memref<!tpu.dma_semaphore, #tpu.memory_space<semaphore_mem>>)
    %dma_wait3A_172 = arith.constant 0 : i32
    %dma_wait3A_173 = tpu.memref_slice %arg5[%add3A_119, %dma_wait3A_172] : memref<160000x8xf32, #tpu.memory_space<hbm>> -> memref<1000x8xf32, #tpu.memory_space<hbm>>
    %dma_wait3A_174 = arith.constant 0 : i32
    %dma_wait3A_175 = tpu.memref_slice %arg5[%add3A_119, %dma_wait3A_174] : memref<160000x8xf32, #tpu.memory_space<hbm>> -> memref<1000x8xf32, #tpu.memory_space<hbm>>
    tpu.wait_dma2 semaphore(%arg21 : memref<!tpu.dma_semaphore, #tpu.memory_space<semaphore_mem>>) src(%arg12 : memref<1000x8xf32, #tpu.memory_space<vmem>>) dst(%dma_wait3A_175 : memref<1000x8xf32, #tpu.memory_space<hbm>>)
    %dma_start3A_176 = arith.constant 2 : i32
    %dma_start3A_177 = arith.constant 0 : i32
    %dma_start3A_178 = tpu.memref_slice %arg8[%dma_start3A_176, %dma_start3A_177] : memref<5x1000xi32, #tpu.memory_space<vmem>> -> memref<1x1000xi32, #tpu.memory_space<vmem>>
    %dma_start3A_179 = tpu.memref_squeeze %dma_start3A_178 : memref<1x1000xi32, #tpu.memory_space<vmem>> -> memref<1000xi32, #tpu.memory_space<vmem>>
    %dma_start3A_180 = arith.constant 0 : i32
    %dma_start3A_181 = arith.constant 0 : i32
    %dma_start3A_182 = tpu.memref_slice %arg2[%dma_start3A_180, %dma_start3A_181] : memref<10000x8xf32, #tpu.memory_space<hbm>> -> memref<10000x8xf32, #tpu.memory_space<hbm>>
    tpu.enqueue_indirect_dma source(%dma_start3A_182 : memref<10000x8xf32, #tpu.memory_space<hbm>>) target(%arg12 : memref<1000x8xf32, #tpu.memory_space<vmem>>) offsets(%dma_start3A_179 : memref<1000xi32, #tpu.memory_space<vmem>>) semaphore(%arg17 : memref<!tpu.dma_semaphore, #tpu.memory_space<semaphore_mem>>)
    %dma_wait3A_183 = arith.constant 1 : i32
    %dma_wait3A_184 = arith.constant 0 : i32
    %dma_wait3A_185 = tpu.memref_slice %arg8[%dma_wait3A_183, %dma_wait3A_184] : memref<5x1000xi32, #tpu.memory_space<vmem>> -> memref<1x1000xi32, #tpu.memory_space<vmem>>
    %dma_wait3A_186 = tpu.memref_squeeze %dma_wait3A_185 : memref<1x1000xi32, #tpu.memory_space<vmem>> -> memref<1000xi32, #tpu.memory_space<vmem>>
    %dma_wait3A_187 = arith.constant 0 : i32
    %dma_wait3A_188 = arith.constant 0 : i32
    %dma_wait3A_189 = tpu.memref_slice %arg2[%dma_wait3A_187, %dma_wait3A_188] : memref<10000x8xf32, #tpu.memory_space<hbm>> -> memref<10000x8xf32, #tpu.memory_space<hbm>>
    tpu.wait_indirect_dma semaphore(%arg16 : memref<!tpu.dma_semaphore, #tpu.memory_space<semaphore_mem>>) src(%dma_wait3A_189 : memref<10000x8xf32, #tpu.memory_space<hbm>>) dst(%arg11 : memref<1000x8xf32, #tpu.memory_space<vmem>>)
    %add3A_190 = arith.constant 1000 : i32
    %add3A_191 = arith.addi %mul3A_2, %add3A_190 : i32
    %dma_start3A_192 = arith.constant 0 : i32
    %dma_start3A_193 = tpu.memref_slice %arg6[%add3A_191, %dma_start3A_192] : memref<160000x8xf32, #tpu.memory_space<hbm>> -> memref<1000x8xf32, #tpu.memory_space<hbm>>
    %dma_start3A_194 = arith.constant 0 : i32
    %dma_start3A_195 = tpu.memref_slice %arg6[%add3A_191, %dma_start3A_194] : memref<160000x8xf32, #tpu.memory_space<hbm>> -> memref<1000x8xf32, #tpu.memory_space<hbm>>
    tpu.enqueue_dma source(%arg11 : memref<1000x8xf32, #tpu.memory_space<vmem>>) target(%dma_start3A_195 : memref<1000x8xf32, #tpu.memory_space<hbm>>) target_semaphore(%arg20 : memref<!tpu.dma_semaphore, #tpu.memory_space<semaphore_mem>>)
    %dma_wait3A_196 = arith.constant 0 : i32
    %dma_wait3A_197 = tpu.memref_slice %arg5[%add3A_143, %dma_wait3A_196] : memref<160000x8xf32, #tpu.memory_space<hbm>> -> memref<1000x8xf32, #tpu.memory_space<hbm>>
    %dma_wait3A_198 = arith.constant 0 : i32
    %dma_wait3A_199 = tpu.memref_slice %arg5[%add3A_143, %dma_wait3A_198] : memref<160000x8xf32, #tpu.memory_space<hbm>> -> memref<1000x8xf32, #tpu.memory_space<hbm>>
    tpu.wait_dma2 semaphore(%arg18 : memref<!tpu.dma_semaphore, #tpu.memory_space<semaphore_mem>>) src(%arg9 : memref<1000x8xf32, #tpu.memory_space<vmem>>) dst(%dma_wait3A_199 : memref<1000x8xf32, #tpu.memory_space<hbm>>)
    %dma_start3A_200 = arith.constant 3 : i32
    %dma_start3A_201 = arith.constant 0 : i32
    %dma_start3A_202 = tpu.memref_slice %arg8[%dma_start3A_200, %dma_start3A_201] : memref<5x1000xi32, #tpu.memory_space<vmem>> -> memref<1x1000xi32, #tpu.memory_space<vmem>>
    %dma_start3A_203 = tpu.memref_squeeze %dma_start3A_202 : memref<1x1000xi32, #tpu.memory_space<vmem>> -> memref<1000xi32, #tpu.memory_space<vmem>>
    %dma_start3A_204 = arith.constant 0 : i32
    %dma_start3A_205 = arith.constant 0 : i32
    %dma_start3A_206 = tpu.memref_slice %arg2[%dma_start3A_204, %dma_start3A_205] : memref<10000x8xf32, #tpu.memory_space<hbm>> -> memref<10000x8xf32, #tpu.memory_space<hbm>>
    tpu.enqueue_indirect_dma source(%dma_start3A_206 : memref<10000x8xf32, #tpu.memory_space<hbm>>) target(%arg9 : memref<1000x8xf32, #tpu.memory_space<vmem>>) offsets(%dma_start3A_203 : memref<1000xi32, #tpu.memory_space<vmem>>) semaphore(%arg14 : memref<!tpu.dma_semaphore, #tpu.memory_space<semaphore_mem>>)
    %dma_wait3A_207 = arith.constant 2 : i32
    %dma_wait3A_208 = arith.constant 0 : i32
    %dma_wait3A_209 = tpu.memref_slice %arg8[%dma_wait3A_207, %dma_wait3A_208] : memref<5x1000xi32, #tpu.memory_space<vmem>> -> memref<1x1000xi32, #tpu.memory_space<vmem>>
    %dma_wait3A_210 = tpu.memref_squeeze %dma_wait3A_209 : memref<1x1000xi32, #tpu.memory_space<vmem>> -> memref<1000xi32, #tpu.memory_space<vmem>>
    %dma_wait3A_211 = arith.constant 0 : i32
    %dma_wait3A_212 = arith.constant 0 : i32
    %dma_wait3A_213 = tpu.memref_slice %arg2[%dma_wait3A_211, %dma_wait3A_212] : memref<10000x8xf32, #tpu.memory_space<hbm>> -> memref<10000x8xf32, #tpu.memory_space<hbm>>
    tpu.wait_indirect_dma semaphore(%arg17 : memref<!tpu.dma_semaphore, #tpu.memory_space<semaphore_mem>>) src(%dma_wait3A_213 : memref<10000x8xf32, #tpu.memory_space<hbm>>) dst(%arg12 : memref<1000x8xf32, #tpu.memory_space<vmem>>)
    %add3A_214 = arith.constant 2000 : i32
    %add3A_215 = arith.addi %mul3A_2, %add3A_214 : i32
    %dma_start3A_216 = arith.constant 0 : i32
    %dma_start3A_217 = tpu.memref_slice %arg6[%add3A_215, %dma_start3A_216] : memref<160000x8xf32, #tpu.memory_space<hbm>> -> memref<1000x8xf32, #tpu.memory_space<hbm>>
    %dma_start3A_218 = arith.constant 0 : i32
    %dma_start3A_219 = tpu.memref_slice %arg6[%add3A_215, %dma_start3A_218] : memref<160000x8xf32, #tpu.memory_space<hbm>> -> memref<1000x8xf32, #tpu.memory_space<hbm>>
    tpu.enqueue_dma source(%arg12 : memref<1000x8xf32, #tpu.memory_space<vmem>>) target(%dma_start3A_219 : memref<1000x8xf32, #tpu.memory_space<hbm>>) target_semaphore(%arg21 : memref<!tpu.dma_semaphore, #tpu.memory_space<semaphore_mem>>)
    %dma_wait3A_220 = arith.constant 0 : i32
    %dma_wait3A_221 = tpu.memref_slice %arg6[%add3A_167, %dma_wait3A_220] : memref<160000x8xf32, #tpu.memory_space<hbm>> -> memref<1000x8xf32, #tpu.memory_space<hbm>>
    %dma_wait3A_222 = arith.constant 0 : i32
    %dma_wait3A_223 = tpu.memref_slice %arg6[%add3A_167, %dma_wait3A_222] : memref<160000x8xf32, #tpu.memory_space<hbm>> -> memref<1000x8xf32, #tpu.memory_space<hbm>>
    tpu.wait_dma2 semaphore(%arg19 : memref<!tpu.dma_semaphore, #tpu.memory_space<semaphore_mem>>) src(%arg10 : memref<1000x8xf32, #tpu.memory_space<vmem>>) dst(%dma_wait3A_223 : memref<1000x8xf32, #tpu.memory_space<hbm>>)
    %dma_start3A_224 = arith.constant 4 : i32
    %dma_start3A_225 = arith.constant 0 : i32
    %dma_start3A_226 = tpu.memref_slice %arg8[%dma_start3A_224, %dma_start3A_225] : memref<5x1000xi32, #tpu.memory_space<vmem>> -> memref<1x1000xi32, #tpu.memory_space<vmem>>
    %dma_start3A_227 = tpu.memref_squeeze %dma_start3A_226 : memref<1x1000xi32, #tpu.memory_space<vmem>> -> memref<1000xi32, #tpu.memory_space<vmem>>
    %dma_start3A_228 = arith.constant 0 : i32
    %dma_start3A_229 = arith.constant 0 : i32
    %dma_start3A_230 = tpu.memref_slice %arg2[%dma_start3A_228, %dma_start3A_229] : memref<10000x8xf32, #tpu.memory_space<hbm>> -> memref<10000x8xf32, #tpu.memory_space<hbm>>
    tpu.enqueue_indirect_dma source(%dma_start3A_230 : memref<10000x8xf32, #tpu.memory_space<hbm>>) target(%arg10 : memref<1000x8xf32, #tpu.memory_space<vmem>>) offsets(%dma_start3A_227 : memref<1000xi32, #tpu.memory_space<vmem>>) semaphore(%arg15 : memref<!tpu.dma_semaphore, #tpu.memory_space<semaphore_mem>>)
    %dma_wait3A_231 = arith.constant 3 : i32
    %dma_wait3A_232 = arith.constant 0 : i32
    %dma_wait3A_233 = tpu.memref_slice %arg8[%dma_wait3A_231, %dma_wait3A_232] : memref<5x1000xi32, #tpu.memory_space<vmem>> -> memref<1x1000xi32, #tpu.memory_space<vmem>>
    %dma_wait3A_234 = tpu.memref_squeeze %dma_wait3A_233 : memref<1x1000xi32, #tpu.memory_space<vmem>> -> memref<1000xi32, #tpu.memory_space<vmem>>
    %dma_wait3A_235 = arith.constant 0 : i32
    %dma_wait3A_236 = arith.constant 0 : i32
    %dma_wait3A_237 = tpu.memref_slice %arg2[%dma_wait3A_235, %dma_wait3A_236] : memref<10000x8xf32, #tpu.memory_space<hbm>> -> memref<10000x8xf32, #tpu.memory_space<hbm>>
    tpu.wait_indirect_dma semaphore(%arg14 : memref<!tpu.dma_semaphore, #tpu.memory_space<semaphore_mem>>) src(%dma_wait3A_237 : memref<10000x8xf32, #tpu.memory_space<hbm>>) dst(%arg9 : memref<1000x8xf32, #tpu.memory_space<vmem>>)
    %add3A_238 = arith.constant 3000 : i32
    %add3A_239 = arith.addi %mul3A_2, %add3A_238 : i32
    %dma_start3A_240 = arith.constant 0 : i32
    %dma_start3A_241 = tpu.memref_slice %arg6[%add3A_239, %dma_start3A_240] : memref<160000x8xf32, #tpu.memory_space<hbm>> -> memref<1000x8xf32, #tpu.memory_space<hbm>>
    %dma_start3A_242 = arith.constant 0 : i32
    %dma_start3A_243 = tpu.memref_slice %arg6[%add3A_239, %dma_start3A_242] : memref<160000x8xf32, #tpu.memory_space<hbm>> -> memref<1000x8xf32, #tpu.memory_space<hbm>>
    tpu.enqueue_dma source(%arg9 : memref<1000x8xf32, #tpu.memory_space<vmem>>) target(%dma_start3A_243 : memref<1000x8xf32, #tpu.memory_space<hbm>>) target_semaphore(%arg18 : memref<!tpu.dma_semaphore, #tpu.memory_space<semaphore_mem>>)
    %dma_wait3A_244 = arith.constant 4 : i32
    %dma_wait3A_245 = arith.constant 0 : i32
    %dma_wait3A_246 = tpu.memref_slice %arg8[%dma_wait3A_244, %dma_wait3A_245] : memref<5x1000xi32, #tpu.memory_space<vmem>> -> memref<1x1000xi32, #tpu.memory_space<vmem>>
    %dma_wait3A_247 = tpu.memref_squeeze %dma_wait3A_246 : memref<1x1000xi32, #tpu.memory_space<vmem>> -> memref<1000xi32, #tpu.memory_space<vmem>>
    %dma_wait3A_248 = arith.constant 0 : i32
    %dma_wait3A_249 = arith.constant 0 : i32
    %dma_wait3A_250 = tpu.memref_slice %arg2[%dma_wait3A_248, %dma_wait3A_249] : memref<10000x8xf32, #tpu.memory_space<hbm>> -> memref<10000x8xf32, #tpu.memory_space<hbm>>
    tpu.wait_indirect_dma semaphore(%arg15 : memref<!tpu.dma_semaphore, #tpu.memory_space<semaphore_mem>>) src(%dma_wait3A_250 : memref<10000x8xf32, #tpu.memory_space<hbm>>) dst(%arg10 : memref<1000x8xf32, #tpu.memory_space<vmem>>)
    %add3A_251 = arith.constant 4000 : i32
    %add3A_252 = arith.addi %mul3A_2, %add3A_251 : i32
    %dma_start3A_253 = arith.constant 0 : i32
    %dma_start3A_254 = tpu.memref_slice %arg6[%add3A_252, %dma_start3A_253] : memref<160000x8xf32, #tpu.memory_space<hbm>> -> memref<1000x8xf32, #tpu.memory_space<hbm>>
    %dma_start3A_255 = arith.constant 0 : i32
    %dma_start3A_256 = tpu.memref_slice %arg6[%add3A_252, %dma_start3A_255] : memref<160000x8xf32, #tpu.memory_space<hbm>> -> memref<1000x8xf32, #tpu.memory_space<hbm>>
    tpu.enqueue_dma source(%arg10 : memref<1000x8xf32, #tpu.memory_space<vmem>>) target(%dma_start3A_256 : memref<1000x8xf32, #tpu.memory_space<hbm>>) target_semaphore(%arg19 : memref<!tpu.dma_semaphore, #tpu.memory_space<semaphore_mem>>)
    %dma_wait3A_257 = arith.constant 0 : i32
    %dma_wait3A_258 = tpu.memref_slice %arg6[%add3A_191, %dma_wait3A_257] : memref<160000x8xf32, #tpu.memory_space<hbm>> -> memref<1000x8xf32, #tpu.memory_space<hbm>>
    %dma_wait3A_259 = arith.constant 0 : i32
    %dma_wait3A_260 = tpu.memref_slice %arg6[%add3A_191, %dma_wait3A_259] : memref<160000x8xf32, #tpu.memory_space<hbm>> -> memref<1000x8xf32, #tpu.memory_space<hbm>>
    tpu.wait_dma2 semaphore(%arg20 : memref<!tpu.dma_semaphore, #tpu.memory_space<semaphore_mem>>) src(%arg11 : memref<1000x8xf32, #tpu.memory_space<vmem>>) dst(%dma_wait3A_260 : memref<1000x8xf32, #tpu.memory_space<hbm>>)
    %dma_wait3A_261 = arith.constant 0 : i32
    %dma_wait3A_262 = tpu.memref_slice %arg6[%add3A_215, %dma_wait3A_261] : memref<160000x8xf32, #tpu.memory_space<hbm>> -> memref<1000x8xf32, #tpu.memory_space<hbm>>
    %dma_wait3A_263 = arith.constant 0 : i32
    %dma_wait3A_264 = tpu.memref_slice %arg6[%add3A_215, %dma_wait3A_263] : memref<160000x8xf32, #tpu.memory_space<hbm>> -> memref<1000x8xf32, #tpu.memory_space<hbm>>
    tpu.wait_dma2 semaphore(%arg21 : memref<!tpu.dma_semaphore, #tpu.memory_space<semaphore_mem>>) src(%arg12 : memref<1000x8xf32, #tpu.memory_space<vmem>>) dst(%dma_wait3A_264 : memref<1000x8xf32, #tpu.memory_space<hbm>>)
    %dma_wait3A_265 = arith.constant 0 : i32
    %dma_wait3A_266 = tpu.memref_slice %arg6[%add3A_239, %dma_wait3A_265] : memref<160000x8xf32, #tpu.memory_space<hbm>> -> memref<1000x8xf32, #tpu.memory_space<hbm>>
    %dma_wait3A_267 = arith.constant 0 : i32
    %dma_wait3A_268 = tpu.memref_slice %arg6[%add3A_239, %dma_wait3A_267] : memref<160000x8xf32, #tpu.memory_space<hbm>> -> memref<1000x8xf32, #tpu.memory_space<hbm>>
    tpu.wait_dma2 semaphore(%arg18 : memref<!tpu.dma_semaphore, #tpu.memory_space<semaphore_mem>>) src(%arg9 : memref<1000x8xf32, #tpu.memory_space<vmem>>) dst(%dma_wait3A_268 : memref<1000x8xf32, #tpu.memory_space<hbm>>)
    %dma_wait3A_269 = arith.constant 0 : i32
    %dma_wait3A_270 = tpu.memref_slice %arg6[%add3A_252, %dma_wait3A_269] : memref<160000x8xf32, #tpu.memory_space<hbm>> -> memref<1000x8xf32, #tpu.memory_space<hbm>>
    %dma_wait3A_271 = arith.constant 0 : i32
    %dma_wait3A_272 = tpu.memref_slice %arg6[%add3A_252, %dma_wait3A_271] : memref<160000x8xf32, #tpu.memory_space<hbm>> -> memref<1000x8xf32, #tpu.memory_space<hbm>>
    tpu.wait_dma2 semaphore(%arg19 : memref<!tpu.dma_semaphore, #tpu.memory_space<semaphore_mem>>) src(%arg10 : memref<1000x8xf32, #tpu.memory_space<vmem>>) dst(%dma_wait3A_272 : memref<1000x8xf32, #tpu.memory_space<hbm>>)
    return
  }
}

</mosaic_0001>

<sc_bundles>
// kernel: _sc_gather.3.cloned.1.call-start
scs
__scs_entry_jumppad:
0x0: {  	(pc) =	sbr.rel $0x88, $3  }
0x1: {  	(tag) =	ssettag $0x0;
	lr =	simm.s32 $0x1  }
0x2: {  	[smem:$0x3F9E] =	sst lr;
	_ =	strace $0xD0000000  }
0x3: {  	_ = 	snop  }
0x4: {  	_ = 	snop  }
0x5: {  	_ = 	snop  }
0x6: {  	_ = 	snop  }
0x7: {  	_ = 	snop  }
__scs_overlays_trampoline_lowered:
0x8: {  	[smem:$0x3FAD] =	sst s0  }
0x9: {  	[smem:$0x3FAE] =	sst s1  }
0xa: {  	[smem:$0x3FAF] =	sst s2  }
0xb: {  	[smem:$0x3FB0] =	sst s3  }
0xc: {  	[smem:$0x3FB1] =	sst s4  }
0xd: {  	[smem:$0x3FB2] =	sst s5  }
0xe: {  	[smem:$0x3FB3] =	sst s6  }
0xf: {  	[smem:$0x3FB4] =	sst s7  }
0x10: {  	[smem:$0x3FB5] =	sst s8  }
0x11: {  	[smem:$0x3FB6] =	sst s9;
	s0 =	simm.s32 @!p0 $0x0  }
0x12: {  	s1 =	sld [smem:$0x3F9C];
	s0 =	simm.s32 @p0 $0x1  }
0x13: {  	[smem:$0x3FB7] =	sst s0;
	s0 =	simm.s32 @!p1 $0x0  }
0x14: {  	s2 =	sld [smem:$0x3F9B];
	s0 =	simm.s32 @p1 $0x1  }
0x15: {  	[smem:$0x3FB8] =	sst s0;
	s0 =	simm.s32 @!p2 $0x0  }
0x16: {  	s3 =	sld [smem:$0x3FDB];
	s0 =	simm.s32 @p2 $0x1  }
0x17: {  	s4 =	simm.s32 $0x1BF5;
	[smem:$0x3FBA] =	sst s0  }
0x18: {  	s0 =	sld [smem:$0x3F9D];
	_ =	swait.ge [sflag:s4], $0x0  }
0x19: {  	s7 =	sld [smem:$0x3F9E]  }
0x1a: {  	s8 =	sadd.s32 $0xFFFFE003, lr  }
0x1b: {  	s9 =	sadd.s32 $0xFFFFFEF7, lr;
	s5 =	simm.s32 $0xFFFFFFFF;
	p2 =	slt.u32 s8, $0xFFFFF086  }
0x1c: {  	p1 =	slt.u32 s9, $0xF7A;
	s5 =	simm.s32 @!p2 $0x0  }
0x1d: {  	s5 =	simm.s32 @p1 $0x1;
	p0 =	seq.s32 s7, s2  }
0x1e: {  	s7 =	smul.u32 @!p0 $0xF7A, s2;
	p2 =	seq.s32 @!p0 s5, $0x0  }
0x1f: {  	s9 =	smul.u32 $0xF7A, s1;
	s8 =	simm.s32 @!p0 $0x1BF5;
	p2 =	por !p2, p0  }
0x20: {  	[sflag:s8] =	ssyncset.s32 @!p0 $0xFFFFF086;
	s6 =	sadd.s32 @!p0 s3, s7;
	s7 =	simm.s32 @!p0 $0x108  }
0x21: {  	s3 =	sadd.s32 s3, s9;
	s6 =	sadd.s32 @!p0 $0x88, s6;
	s7 =	simm.s32 @p2 $0x1082  }
0x22: {  	[simem:s7], [sflag:s8] =	dma.local @!p0 [hbm:s6], $0xF7A  }
0x23: {  	s9 =	sor.u32 $0xD0000000, s2;
	s6 =	simm.s32 $0x108;
	_ =	swait.ge @!p0 [sflag:s8], $0x0  }
0x24: {  	s3 =	sadd.s32 $0x88, s3;
	s6 =	simm.s32 @!p1 $0x1082;
	[sflag:s4] =	ssyncset.s32 $0xFFFFF086  }
0x25: {  	[simem:s6], [sflag:s4] =	dma.local [hbm:s3], $0xF7A  }
0x26: {  	[smem:$0x3F9E] =	sst s1;
	(tag) =	ssettag s2;
	_ =	strace s9  }
0x27: {  	s1 =	sld [smem:$0x3FAE]  }
0x28: {  	s2 =	sld [smem:$0x3FAF]  }
0x29: {  	s4 =	sld [smem:$0x3FB1]  }
0x2a: {  	p0 =	seq.s32 s5, $0x0;
	s5 =	sld [smem:$0x3FB2]  }
0x2b: {  	s6 =	sld [smem:$0x3FB3]  }
0x2c: {  	s7 =	sld [smem:$0x3FB4]  }
0x2d: {  	s3 =	simm.s32 $0x108;
	s8 =	sld [smem:$0x3FB5]  }
0x2e: {  	s3 =	simm.s32 @!p0 $0x1082;
	s9 =	sld [smem:$0x3FB6]  }
0x2f: {  	lr =	sadd.s32 s0, s3;
	s0 =	sld [smem:$0x3FAD]  }
0x30: {  	s3 =	sld [smem:$0x3FB0]  }
0x31: {  	[smem:$0x3FB9] =	sst s10  }
0x32: {  	s10 =	sld [smem:$0x3FB7];
	_ =	sdelay $0x3  }
0x33: {  	p0 =	seq.s32 s10, $0x1;
	s10 =	sld [smem:$0x3FB9];
	_ =	sdelay $0x3  }
0x34: {  	[smem:$0x3FB9] =	sst s10  }
0x35: {  	s10 =	sld [smem:$0x3FB8];
	_ =	sdelay $0x3  }
0x36: {  	p1 =	seq.s32 s10, $0x1;
	s10 =	sld [smem:$0x3FB9];
	_ =	sdelay $0x3  }
0x37: {  	[smem:$0x3FB9] =	sst s10  }
0x38: {  	s10 =	sld [smem:$0x3FBA]  }
0x39: {  	_ = 	snop;
	(pc) =	sbr.ind lr, $3  }
0x3a: {  	_ = 	snop  }
0x3b: {  	_ = 	snop  }
0x3c: {  	p2 =	seq.s32 s10, $0x1;
	s10 =	sld [smem:$0x3FB9]  }
0x3d: {  	_ =	shalt  }
0x3e: {  	_ =	shalt  }
0x3f: {  	_ =	shalt  }
0x40: {  	_ =	shalt  }
0x41: {  	_ =	shalt  }
0x42: {  	_ =	shalt  }
0x43: {  	_ =	shalt  }
0x44: {  	_ =	shalt  }
0x45: {  	_ =	shalt  }
0x46: {  	_ =	shalt  }
0x47: {  	_ =	shalt  }
0x48: {  	_ =	shalt  }
0x49: {  	_ =	shalt  }
0x4a: {  	_ =	shalt  }
0x4b: {  	_ =	shalt  }
0x4c: {  	_ =	shalt  }
0x4d: {  	_ =	shalt  }
0x4e: {  	_ =	shalt  }
0x4f: {  	_ =	shalt  }
0x50: {  	_ =	shalt  }
0x51: {  	_ =	shalt  }
0x52: {  	_ =	shalt  }
0x53: {  	_ =	shalt  }
0x54: {  	_ =	shalt  }
0x55: {  	_ =	shalt  }
0x56: {  	_ =	shalt  }
0x57: {  	_ =	shalt  }
0x58: {  	_ =	shalt  }
0x59: {  	_ =	shalt  }
0x5a: {  	_ =	shalt  }
0x5b: {  	_ =	shalt  }
0x5c: {  	_ =	shalt  }
0x5d: {  	_ =	shalt  }
0x5e: {  	_ =	shalt  }
0x5f: {  	_ =	shalt  }
0x60: {  	_ =	shalt  }
0x61: {  	_ =	shalt  }
0x62: {  	_ =	shalt  }
0x63: {  	_ =	shalt  }
0x64: {  	_ =	shalt  }
0x65: {  	_ =	shalt  }
0x66: {  	_ =	shalt  }
0x67: {  	_ =	shalt  }
0x68: {  	_ =	shalt  }
0x69: {  	_ =	shalt  }
0x6a: {  	_ =	shalt  }
0x6b: {  	_ =	shalt  }
0x6c: {  	_ =	shalt  }
0x6d: {  	_ =	shalt  }
0x6e: {  	_ =	shalt  }
0x6f: {  	_ =	shalt  }
0x70: {  	_ =	shalt  }
0x71: {  	_ =	shalt  }
0x72: {  	_ =	shalt  }
0x73: {  	_ =	shalt  }
0x74: {  	_ =	shalt  }
0x75: {  	_ =	shalt  }
0x76: {  	_ =	shalt  }
0x77: {  	_ =	shalt  }
0x78: {  	_ =	shalt  }
0x79: {  	_ =	shalt  }
0x7a: {  	_ =	shalt  }
0x7b: {  	_ =	shalt  }
0x7c: {  	_ =	shalt  }
0x7d: {  	_ =	shalt  }
0x7e: {  	_ =	shalt  }
0x7f: {  	_ =	shalt  }
0x80: {  	_ =	shalt  }
0x81: {  	_ =	shalt  }
0x82: {  	_ =	shalt  }
0x83: {  	_ =	shalt  }
0x84: {  	_ =	shalt  }
0x85: {  	_ =	shalt  }
0x86: {  	_ =	shalt  }
0x87: {  	_ =	shalt  }
.Lfunc_end0:
.L_simem_size_0:
called_computation_lowered:
.L_overlay_start_0:
0x88: {  	s2 =	sld [smem:$0x3FD9]  }
0x89: {  	s3 =	sld [smem:$0x3FFE];
	_ =	sdelay $0x1  }
0x8a: {  	s1 =	srdreg.scid  }
0x8b: {  	s0 =	sand.u32 $0x1, s1  }
0x8c: {  	s14 =	sshll.u32 s0, $0xA;
	s2 =	sadd.s32 s3, s2  }
0x8d: {  	s2 =	sadd.s32 s2, s14  }
0x8e: {  	[smem:$0x3FC5] =	sst s2  }
0x8f: {  	_ = 	snop  }
0x90: {  	s2 =	sld [smem:$0x3FD0];
	_ =	sdelay $0x1  }
0x91: {  	s15 =	sld [smem:$0x3FC8]  }
0x92: {  	s5 =	simm.s32 $0xA;
	s6 =	simm.s32 $0x10;
	s4 =	sld [smem:$0x3FC7]  }
0x93: {  	[smem:s6], [sflag:s5] =	dma.local [hbm:s2], $0x1  }
0x94: {  	_ =	swait.eq [sflag:s5], $0x1  }
0x95: {  	[sflag:s5] =	ssyncset.done $0x0  }
0x96: {  	s16 =	sld [smem:$0x10];
	[sflag:s5] =	ssyncadd.s32 $0xFFFFFFFF  }
0x97: {  	s17 =	sld [smem:$0x11];
	(tm) =	ssettm $0x1  }
0x98: {  	s18 =	sld [smem:$0x3FFB];
	_ =	sdelay $0x3  }
0x99: {  	_ =	strace s18  }
0x9a: {  	s6 =	sld [smem:$0x3FFC];
	_ =	sdelay $0x3  }
0x9b: {  	_ =	strace s6  }
0x9c: {  	s6 =	sld [smem:$0x3FFD];
	_ =	sdelay $0x3  }
0x9d: {  	_ =	strace s6  }
0x9e: {  	_ =	strace $0x8FFFFFFF  }
0x9f: {  	s19 =	sld [smem:$0x3FDB];
	_ =	sdelay $0x1  }
0xa0: {  	s7 =	simm.s32 $_scs_section_size  }
0xa1: {  	s8 =	simm.s32 $_size__tile_overlayer_lowered;
	s9 =	simm.s32 $_tile_overlayer_lowered  }
0xa2: {  	s22 =	simm.s32 $0x1BFF;
	s21 =	sshll.u32 s9, $0x1;
	s6 =	sadd.s32 s7, s19  }
0xa3: {  	s10 =	simm.s32 $0x0;
	s20 =	sshll.u32 s8, $0x1;
	s8 =	sadd.s32 s21, s6  }
0xa4: {  	[timem:s10], [sflag:s22] =	dma.local [hbm:s8], s20  }
0xa5: {  	_ =	swait.ge [sflag:s22], s20  }
0xa6: {  	s7 =	ssub.s32 $0x0, s20;
	[sflag:s22] =	ssyncset.done $0x0  }
0xa7: {  	[sflag:s22] =	ssyncadd.s32 s7;
	_ =	sdelay $0x1  }
0xa8: {  	s23 =	simm.s32 $0x1B8B  }
0xa9: {  	_ =	swait.ge [sflag:s23], $0x1  }
0xaa: {  	[sflag:s23] =	ssyncset.done $0x0  }
0xab: {  	s25 =	simm.s32 $0x1B8E;
	s24 =	sld [smem:$0x3FFE];
	[sflag:s23] =	ssyncadd.s32 $0xFFFFFFFF  }
0xac: {  	s26 =	simm.s32 $execute0_lowered;
	[smem:$0x3FD2] =	sst s25  }
0xad: {  	s8 =	sshll.u32 s26, $0x1;
	_ =	strace $0x80000046;
	[dreg:$0x1] =	wrdreg $0xFFFFFFFF  }
0xae: {  	s28 =	simm.s32 $_size_execute0_lowered;
	s6 =	sadd.s32 s6, s8;
	[dreg:$0x0] =	wrdreg $0x0  }
0xaf: {  	s8 =	sshll.u32 s28, $0x1;
	[dreg:$0x2] =	wrdreg s6  }
0xb0: {  	[dreg:$0x3] =	wrdreg s8  }
0xb1: {  	[dreg:$0x4] =	wrdreg $0xC0  }
0xb2: {  	_ =	task [dreg:s10], $0x5FFFF  }
0xb3: {  	[dreg:$0x1] =	wrdreg $0xFFFFFFFF  }
0xb4: {  	[dreg:$0x0] =	wrdreg $0x60  }
0xb5: {  	[dreg:$0x2] =	wrdreg s24  }
0xb6: {  	[dreg:$0x3] =	wrdreg s15  }
0xb7: {  	[dreg:$0x4] =	wrdreg s4  }
0xb8: {  	[dreg:$0x5] =	wrdreg s16  }
0xb9: {  	[dreg:$0x6] =	wrdreg s17  }
0xba: {  	[dreg:$0x7] =	wrdreg $0x9  }
0xbb: {  	_ =	task.clear_ibuf [dreg:s10], $0x8FFFF;
	_ =	strace $0x90000046  }
0xbc: {  	s29 =	simm.s32 $0x9;
	_ =	strace $0x80000048  }
0xbd: {  	_ =	swait.ge [sflag:s29], $0x1  }
0xbe: {  	[sflag:s29] =	ssyncadd.s32 $0xFFFFFFFF  }
0xbf: {  	_ =	strace $0x90000048  }
0xc0: {  	_ =	sfence  }
0xc1: {  	s30 =	sld [smem:$0x0];
	_ =	sdelay $0x2  }
0xc2: {  	s31 =	sshll.u32 s1, $0xD;
	s1 =	sshrl.u32 s1, $0x2  }
0xc3: {  	s3 =	sand.u32 $0x4000, s31;
	s1 =	sadd.s32 s1, s30  }
0xc4: {  	s0 =	sor.u32 s3, s0;
	s1 =	sshll.u32 s1, $0x11  }
0xc5: {  	s0 =	sor.u32 s1, s0  }
0xc6: {  	s0 =	sadd.s32 $0x8F2B, s0  }
0xc7: {  	[sflag:s0] =	ssyncadd.remote.s32 $0x1  }
0xc8: {  	_ =	sfence.sel $0xFFFF  }
0xc9: {  	[dreg:$0x0] =	wrdreg $0xFFFFFFFF;
	(pc) =	sbr.abs _section_cstart, $3  }
0xca: {  	[dreg:$0x1] =	wrdreg $0xFFFFFFFF  }
0xcb: {  	_ =	task.clear_ibuf [dreg:s10], $0x2FFFF;
	_ =	strace $0x9FFFFFFF  }
0xcc: {  	(tm) =	ssettm $0x7FFFFFFF  }
0xcd: {  	_ =	shalt  }
tec
execute0_lowered:
.L_overlay_start_1:
0x0: {  	(tag) =	ssettag $0x1  }
0x1: {  	s0 =	rddreg [dreg:$0x0]  }
0x2: {  	s1 =	rddreg [dreg:$0x1]  }
0x3: {  	s4 =	rddreg [dreg:$0x2]  }
0x4: {  	s5 =	rddreg [dreg:$0x3]  }
0x5: {  	s6 =	rddreg [dreg:$0x4]  }
0x6: {  	s22 =	rddreg [dreg:$0x5]  }
0x7: {  	s3 =	srdreg.scid;
	s8 =	stileid.u32;
	s2 =	simm.s32 $0x0  }
0x8: {  	s31 =	simm.s32 $0x1;
	s12 =	simm.s32 $0x3E8;
	s13 =	simm.s32 $0x2  }
0x9: {  	s30 =	simm.s32 $0xBB8;
	s29 =	simm.s32 $0xFA0;
	p0 =	por $0x0, $0x0  }
0xa: {  	s28 =	simm.s32 $0x1770;
	s7 =	sand.u32 $0x1, s3;
	s16 =	sshll.u32 s8, $0x1  }
0xb: {  	s15 =	simm.s32 $0x9;
	[smem:$0x7FF] =	sst s2;
	s8 =	sor.u32 s7, s16  }
0xc: {  	s3 =	sadd.s32 $0xA00, s0;
	s17 =	ssub.s32 $0x2, s7;
	s9 =	smul.u32 $0x271, s8  }
0xd: {  	_ =	strace $0x80000047;
	s18 =	smul.u32 $0x9C40, s8;
	s10 =	sshrl.u32 s17, $0x1  }
0xe: {  	s16 =	simm.s32 $0x8;
	s8 =	smul.u32 $0x1388, s8;
	s0 =	ssub.s32 s17, s10  }
0xf: {  	s4 =	sadd.s32 s4, s9;
	s1 =	sadd.s32 s1, s9;
	s19 =	sshrl.u32 s18, $0x3  }
0x10: {  	s20 =	sadd.s32 s5, s8;
	s17 =	sadd.s32 s6, s8;
	s0 =	smax.u32 s0, $0x1  }
0x11: {  	s9 =	simm.s32 $0x2710;
	s8 =	simm.s32 $0x4650;
	[dreg:$0x6] =	wrdreg s4  }
0x12: {  	s18 =	simm.s32 $0x84D0;
	[dreg:$0x7] =	wrdreg s1;
	s7 =	sadd.s32 $0x3E8, s19  }
0x13: {  	[dreg:$0x8] =	wrdreg s20;
	s23 =	sadd.s32 $0x7D0, s19;
	s11 =	sadd.s32 $0xBB8, s19  }
0x14: {  	s4 =	sadd.s32 $0xFA0, s19;
	s19 =	simm.s32 $0x6590;
	s20 =	simm.s32 $0x5  }
0x15: {  	p1 =	sne.s32 s0, $0x1;
	s0 =	sadd.s32 $0xFFFFFFFF, s0;
	s21 =	sadd.s32 s5, s7  }
0x16: {  	s24 =	sadd.s32 s5, s23;
	s25 =	sadd.s32 s5, s11;
	s26 =	sadd.s32 s5, s4  }
0x17: {  	s14 =	sadd.s32 s6, s7;
	s10 =	sadd.s32 s6, s23;
	s1 =	rddreg [dreg:$0x6]  }
.Ltmp0:
0x18: {  	s5 =	sadd.s32 s6, s11;
	[dreg:$0x9] =	wrdreg s21;
	(pc) =	sbr.rel @!p1 .LBB2_1-.Ltmp0, $4  }
0x19: {  	s4 =	sadd.s32 s6, s4;
	s11 =	simm.s32 $0x3;
	[dreg:$0xa] =	wrdreg s24  }
0x1a: {  	s6 =	simm.s32 $0x6;
	s7 =	simm.s32 $0x7;
	[dreg:$0xb] =	wrdreg s25  }
0x1b: {  	s23 =	simm.s32 $0x2328;
	[dreg:$0xc] =	wrdreg s26;
	s24 =	simm.s32 $0x1388  }
0x1c: {  	s21 =	simm.s32 $0x4;
	s26 =	simm.s32 $0x1B58;
	s25 =	simm.s32 $0x1F40  }
0x1d: {  	[tilespmem:s2], [sflag:$0x1] =	stream.linear.gather [hbm4b:s1+s2], $0x1388, $0x38;
	[tilespmem:$0xA410] =	vst v63  }
0x1e: {  	s22 =	smov.u32 s0;
	s0 =	rddreg [dreg:$0x7]  }
0x1f: {  	[tilespmem:s24], [sflag:$0x1] =	stream.linear.gather [hbm4b:s0+s2], $0x1388, $0x38;
	[tilespmem:$0xA410] =	vst v63  }
0x20: {  	_ =	swait.ge [sflag:s31], $0x1388  }
0x21: {  	[sflag:s31] =	ssyncset.done $0x0  }
0x22: {  	[sflag:s31] =	ssyncadd.s32 $0xFFFFEC78  }
0x23: {  	_ =	swait.ge [sflag:s31], $0x1388  }
0x24: {  	[sflag:s31] =	ssyncset.done $0x0  }
0x25: {  	[sflag:s31] =	ssyncadd.s32 $0xFFFFEC78  }
0x26: {  	[tilespmem:s9], [sflag:$0x2] =	stream.indirect.gather [hbm4b:s3+s12], $0x8, s2, s12, $0xb8;
	[tilespmem:$0xA410] =	vst v63  }
0x27: {  	_ = 	snop  }
0x28: {  	[tilespmem:s8], [sflag:$0x3] =	stream.indirect.gather [hbm4b:s3+s12], $0x8, s12, s12, $0xb8;
	[tilespmem:$0xA410] =	vst v63  }
0x29: {  	_ =	swait.ge [sflag:s13], $0x1F40  }
0x2a: {  	[sflag:s13] =	ssyncset.done $0x0  }
0x2b: {  	s1 =	rddreg [dreg:$0x8];
	[sflag:s13] =	ssyncadd.s32 $0xFFFFE0C0  }
0x2c: {  	[hbm4b:s1+s2] =	stream.linear.scatter [tilespmem:s9], [sflag:$0x6], $0x1F40, $0x38;
	[tilespmem:$0xA410] =	vst v63  }
0x2d: {  	s1 =	simm.s32 $0x7D0  }
0x2e: {  	[tilespmem:s19], [sflag:$0x4] =	stream.indirect.gather [hbm4b:s3+s12], $0x8, s1, s12, $0xb8;
	[tilespmem:$0xA410] =	vst v63  }
0x2f: {  	_ =	swait.ge [sflag:s11], $0x1F40  }
0x30: {  	[sflag:s11] =	ssyncset.done $0x0  }
0x31: {  	s1 =	rddreg [dreg:$0x9];
	[sflag:s11] =	ssyncadd.s32 $0xFFFFE0C0  }
0x32: {  	[hbm4b:s1+s2] =	stream.linear.scatter [tilespmem:s8], [sflag:$0x7], $0x1F40, $0x38;
	[tilespmem:$0xA410] =	vst v63  }
0x33: {  	_ = 	snop  }
0x34: {  	[tilespmem:s18], [sflag:$0x5] =	stream.indirect.gather [hbm4b:s3+s12], $0x8, s30, s12, $0xb8;
	[tilespmem:$0xA410] =	vst v63  }
0x35: {  	_ =	swait.ge [sflag:s21], $0x1F40  }
0x36: {  	[sflag:s21] =	ssyncset.done $0x0  }
0x37: {  	s1 =	rddreg [dreg:$0xa];
	[sflag:s21] =	ssyncadd.s32 $0xFFFFE0C0  }
0x38: {  	[hbm4b:s1+s2] =	stream.linear.scatter [tilespmem:s19], [sflag:$0x8], $0x1F40, $0x38;
	[tilespmem:$0xA410] =	vst v63  }
0x39: {  	_ =	swait.ge [sflag:s6], $0x1F40  }
0x3a: {  	[sflag:s6] =	ssyncset.done $0x0  }
0x3b: {  	[sflag:s6] =	ssyncadd.s32 $0xFFFFE0C0  }
0x3c: {  	[tilespmem:s9], [sflag:$0x2] =	stream.indirect.gather [hbm4b:s3+s12], $0x8, s29, s12, $0xb8;
	[tilespmem:$0xA410] =	vst v63  }
0x3d: {  	_ =	swait.ge [sflag:s20], $0x1F40  }
0x3e: {  	[sflag:s20] =	ssyncset.done $0x0  }
0x3f: {  	s1 =	rddreg [dreg:$0xb];
	[sflag:s20] =	ssyncadd.s32 $0xFFFFE0C0  }
0x40: {  	[hbm4b:s1+s2] =	stream.linear.scatter [tilespmem:s18], [sflag:$0x9], $0x1F40, $0x38;
	[tilespmem:$0xA410] =	vst v63  }
0x41: {  	_ =	swait.ge [sflag:s7], $0x1F40  }
0x42: {  	[sflag:s7] =	ssyncset.done $0x0  }
0x43: {  	[sflag:s7] =	ssyncadd.s32 $0xFFFFE0C0  }
0x44: {  	[tilespmem:s8], [sflag:$0x3] =	stream.indirect.gather [hbm4b:s3+s12], $0x8, s24, s12, $0xb8;
	[tilespmem:$0xA410] =	vst v63  }
0x45: {  	_ =	swait.ge [sflag:s13], $0x1F40  }
0x46: {  	[sflag:s13] =	ssyncset.done $0x0  }
0x47: {  	s1 =	rddreg [dreg:$0xc];
	[sflag:s13] =	ssyncadd.s32 $0xFFFFE0C0  }
0x48: {  	[hbm4b:s1+s2] =	stream.linear.scatter [tilespmem:s9], [sflag:$0x6], $0x1F40, $0x38;
	[tilespmem:$0xA410] =	vst v63  }
0x49: {  	_ =	swait.ge [sflag:s16], $0x1F40  }
0x4a: {  	[sflag:s16] =	ssyncset.done $0x0  }
0x4b: {  	[sflag:s16] =	ssyncadd.s32 $0xFFFFE0C0  }
0x4c: {  	[tilespmem:s19], [sflag:$0x4] =	stream.indirect.gather [hbm4b:s3+s12], $0x8, s28, s12, $0xb8;
	[tilespmem:$0xA410] =	vst v63  }
0x4d: {  	_ =	swait.ge [sflag:s11], $0x1F40  }
0x4e: {  	[sflag:s11] =	ssyncset.done $0x0  }
0x4f: {  	[sflag:s11] =	ssyncadd.s32 $0xFFFFE0C0  }
0x50: {  	[hbm4b:s17+s2] =	stream.linear.scatter [tilespmem:s8], [sflag:$0x7], $0x1F40, $0x38;
	[tilespmem:$0xA410] =	vst v63  }
0x51: {  	_ =	swait.ge [sflag:s15], $0x1F40  }
0x52: {  	[sflag:s15] =	ssyncset.done $0x0  }
0x53: {  	[sflag:s15] =	ssyncadd.s32 $0xFFFFE0C0  }
0x54: {  	[tilespmem:s18], [sflag:$0x5] =	stream.indirect.gather [hbm4b:s3+s12], $0x8, s26, s12, $0xb8;
	[tilespmem:$0xA410] =	vst v63  }
0x55: {  	_ =	swait.ge [sflag:s21], $0x1F40  }
0x56: {  	[sflag:s21] =	ssyncset.done $0x0  }
0x57: {  	[sflag:s21] =	ssyncadd.s32 $0xFFFFE0C0  }
0x58: {  	[hbm4b:s14+s2] =	stream.linear.scatter [tilespmem:s19], [sflag:$0x8], $0x1F40, $0x38;
	[tilespmem:$0xA410] =	vst v63  }
0x59: {  	_ =	swait.ge [sflag:s6], $0x1F40  }
0x5a: {  	[sflag:s6] =	ssyncset.done $0x0  }
0x5b: {  	[sflag:s6] =	ssyncadd.s32 $0xFFFFE0C0  }
0x5c: {  	[tilespmem:s9], [sflag:$0x2] =	stream.indirect.gather [hbm4b:s3+s12], $0x8, s25, s12, $0xb8;
	[tilespmem:$0xA410] =	vst v63  }
0x5d: {  	_ =	swait.ge [sflag:s20], $0x1F40  }
0x5e: {  	[sflag:s20] =	ssyncset.done $0x0  }
0x5f: {  	[sflag:s20] =	ssyncadd.s32 $0xFFFFE0C0  }
0x60: {  	[hbm4b:s10+s2] =	stream.linear.scatter [tilespmem:s18], [sflag:$0x9], $0x1F40, $0x38;
	[tilespmem:$0xA410] =	vst v63  }
0x61: {  	_ =	swait.ge [sflag:s7], $0x1F40  }
0x62: {  	[sflag:s7] =	ssyncset.done $0x0  }
0x63: {  	[sflag:s7] =	ssyncadd.s32 $0xFFFFE0C0  }
0x64: {  	[tilespmem:s8], [sflag:$0x3] =	stream.indirect.gather [hbm4b:s3+s12], $0x8, s23, s12, $0xb8;
	[tilespmem:$0xA410] =	vst v63  }
0x65: {  	_ =	swait.ge [sflag:s13], $0x1F40  }
0x66: {  	[sflag:s13] =	ssyncset.done $0x0  }
0x67: {  	[sflag:s13] =	ssyncadd.s32 $0xFFFFE0C0  }
0x68: {  	[hbm4b:s5+s2] =	stream.linear.scatter [tilespmem:s9], [sflag:$0x6], $0x1F40, $0x38;
	[tilespmem:$0xA410] =	vst v63  }
0x69: {  	_ =	swait.ge [sflag:s11], $0x1F40  }
0x6a: {  	[sflag:s11] =	ssyncset.done $0x0  }
0x6b: {  	[sflag:s11] =	ssyncadd.s32 $0xFFFFE0C0  }
0x6c: {  	[hbm4b:s4+s2] =	stream.linear.scatter [tilespmem:s8], [sflag:$0x7], $0x1F40, $0x38;
	[tilespmem:$0xA410] =	vst v63  }
0x6d: {  	_ =	swait.ge [sflag:s16], $0x1F40  }
0x6e: {  	[sflag:s16] =	ssyncset.done $0x0  }
0x6f: {  	[sflag:s16] =	ssyncadd.s32 $0xFFFFE0C0  }
0x70: {  	_ =	swait.ge [sflag:s15], $0x1F40  }
0x71: {  	[sflag:s15] =	ssyncset.done $0x0  }
0x72: {  	p1 =	sne.s32 s22, $0x1;
	[sflag:s15] =	ssyncadd.s32 $0xFFFFE0C0  }
.Ltmp1:
0x73: {  	_ =	swait.ge [sflag:s6], $0x1F40;
	(pc) =	sbr.rel @!p1 .LBB2_3-.Ltmp1, $4  }
0x74: {  	[sflag:s6] =	ssyncset.done $0x0  }
0x75: {  	[sflag:s6] =	ssyncadd.s32 $0xFFFFE0C0  }
0x76: {  	p0 =	por $0x1, $0x1;
	_ =	swait.ge [sflag:s7], $0x1F40  }
0x77: {  	s0 =	sadd.s32 $0xFFFFFFFF, s22;
	s1 =	rddreg [dreg:$0x6];
	[sflag:s7] =	ssyncset.done $0x0  }
.LBB2_4:
0x78: {  	[sflag:s7] =	ssyncadd.s32 $0xFFFFE0C0  }
0x79: {  	[tilespmem:s2], [sflag:$0x1] =	stream.linear.gather [hbm4b:s1+s2], $0x1388, $0x38;
	[tilespmem:$0xA410] =	vst v63  }
0x7a: {  	s22 =	rddreg [dreg:$0x7]  }
0x7b: {  	[tilespmem:s24], [sflag:$0x1] =	stream.linear.gather [hbm4b:s22+s2], $0x1388, $0x38;
	[tilespmem:$0xA410] =	vst v63  }
0x7c: {  	_ =	swait.ge [sflag:s31], $0x1388  }
0x7d: {  	[sflag:s31] =	ssyncset.done $0x0  }
0x7e: {  	[sflag:s31] =	ssyncadd.s32 $0xFFFFEC78  }
0x7f: {  	_ =	swait.ge [sflag:s31], $0x1388  }
0x80: {  	[sflag:s31] =	ssyncset.done $0x0  }
0x81: {  	[sflag:s31] =	ssyncadd.s32 $0xFFFFEC78  }
0x82: {  	[tilespmem:s9], [sflag:$0x2] =	stream.indirect.gather [hbm4b:s3+s12], $0x8, s2, s12, $0xb8;
	[tilespmem:$0xA410] =	vst v63  }
0x83: {  	_ = 	snop  }
0x84: {  	[tilespmem:s8], [sflag:$0x3] =	stream.indirect.gather [hbm4b:s3+s12], $0x8, s12, s12, $0xb8;
	[tilespmem:$0xA410] =	vst v63  }
0x85: {  	_ =	swait.ge [sflag:s13], $0x1F40  }
0x86: {  	[sflag:s13] =	ssyncset.done $0x0  }
0x87: {  	s22 =	rddreg [dreg:$0x8];
	[sflag:s13] =	ssyncadd.s32 $0xFFFFE0C0  }
0x88: {  	[hbm4b:s22+s2] =	stream.linear.scatter [tilespmem:s9], [sflag:$0x6], $0x1F40, $0x38;
	[tilespmem:$0xA410] =	vst v63  }
0x89: {  	s22 =	simm.s32 $0x7D0  }
0x8a: {  	[tilespmem:s19], [sflag:$0x4] =	stream.indirect.gather [hbm4b:s3+s12], $0x8, s22, s12, $0xb8;
	[tilespmem:$0xA410] =	vst v63  }
0x8b: {  	_ =	swait.ge [sflag:s11], $0x1F40  }
0x8c: {  	[sflag:s11] =	ssyncset.done $0x0  }
0x8d: {  	s22 =	rddreg [dreg:$0x9];
	[sflag:s11] =	ssyncadd.s32 $0xFFFFE0C0  }
0x8e: {  	[hbm4b:s22+s2] =	stream.linear.scatter [tilespmem:s8], [sflag:$0x7], $0x1F40, $0x38;
	[tilespmem:$0xA410] =	vst v63  }
0x8f: {  	_ = 	snop  }
0x90: {  	[tilespmem:s18], [sflag:$0x5] =	stream.indirect.gather [hbm4b:s3+s12], $0x8, s30, s12, $0xb8;
	[tilespmem:$0xA410] =	vst v63  }
0x91: {  	_ =	swait.ge [sflag:s21], $0x1F40  }
0x92: {  	[sflag:s21] =	ssyncset.done $0x0  }
0x93: {  	s22 =	rddreg [dreg:$0xa];
	[sflag:s21] =	ssyncadd.s32 $0xFFFFE0C0  }
0x94: {  	[hbm4b:s22+s2] =	stream.linear.scatter [tilespmem:s19], [sflag:$0x8], $0x1F40, $0x38;
	[tilespmem:$0xA410] =	vst v63  }
0x95: {  	_ =	swait.ge [sflag:s6], $0x1F40  }
0x96: {  	[sflag:s6] =	ssyncset.done $0x0  }
0x97: {  	[sflag:s6] =	ssyncadd.s32 $0xFFFFE0C0  }
0x98: {  	[tilespmem:s9], [sflag:$0x2] =	stream.indirect.gather [hbm4b:s3+s12], $0x8, s29, s12, $0xb8;
	[tilespmem:$0xA410] =	vst v63  }
0x99: {  	_ =	swait.ge [sflag:s20], $0x1F40  }
0x9a: {  	[sflag:s20] =	ssyncset.done $0x0  }
0x9b: {  	s22 =	rddreg [dreg:$0xb];
	[sflag:s20] =	ssyncadd.s32 $0xFFFFE0C0  }
0x9c: {  	[hbm4b:s22+s2] =	stream.linear.scatter [tilespmem:s18], [sflag:$0x9], $0x1F40, $0x38;
	[tilespmem:$0xA410] =	vst v63  }
0x9d: {  	_ =	swait.ge [sflag:s7], $0x1F40  }
0x9e: {  	[sflag:s7] =	ssyncset.done $0x0  }
0x9f: {  	[sflag:s7] =	ssyncadd.s32 $0xFFFFE0C0  }
0xa0: {  	[tilespmem:s8], [sflag:$0x3] =	stream.indirect.gather [hbm4b:s3+s12], $0x8, s24, s12, $0xb8;
	[tilespmem:$0xA410] =	vst v63  }
0xa1: {  	_ =	swait.ge [sflag:s13], $0x1F40  }
0xa2: {  	[sflag:s13] =	ssyncset.done $0x0  }
0xa3: {  	s22 =	rddreg [dreg:$0xc];
	[sflag:s13] =	ssyncadd.s32 $0xFFFFE0C0  }
0xa4: {  	[hbm4b:s22+s2] =	stream.linear.scatter [tilespmem:s9], [sflag:$0x6], $0x1F40, $0x38;
	[tilespmem:$0xA410] =	vst v63  }
0xa5: {  	_ =	swait.ge [sflag:s16], $0x1F40  }
0xa6: {  	[sflag:s16] =	ssyncset.done $0x0  }
0xa7: {  	[sflag:s16] =	ssyncadd.s32 $0xFFFFE0C0  }
0xa8: {  	[tilespmem:s19], [sflag:$0x4] =	stream.indirect.gather [hbm4b:s3+s12], $0x8, s28, s12, $0xb8;
	[tilespmem:$0xA410] =	vst v63  }
0xa9: {  	_ =	swait.ge [sflag:s11], $0x1F40  }
0xaa: {  	[sflag:s11] =	ssyncset.done $0x0  }
0xab: {  	[sflag:s11] =	ssyncadd.s32 $0xFFFFE0C0  }
0xac: {  	[hbm4b:s17+s2] =	stream.linear.scatter [tilespmem:s8], [sflag:$0x7], $0x1F40, $0x38;
	[tilespmem:$0xA410] =	vst v63  }
0xad: {  	_ =	swait.ge [sflag:s15], $0x1F40  }
0xae: {  	[sflag:s15] =	ssyncset.done $0x0  }
0xaf: {  	[sflag:s15] =	ssyncadd.s32 $0xFFFFE0C0  }
0xb0: {  	[tilespmem:s18], [sflag:$0x5] =	stream.indirect.gather [hbm4b:s3+s12], $0x8, s26, s12, $0xb8;
	[tilespmem:$0xA410] =	vst v63  }
0xb1: {  	_ =	swait.ge [sflag:s21], $0x1F40  }
0xb2: {  	[sflag:s21] =	ssyncset.done $0x0  }
0xb3: {  	[sflag:s21] =	ssyncadd.s32 $0xFFFFE0C0  }
0xb4: {  	[hbm4b:s14+s2] =	stream.linear.scatter [tilespmem:s19], [sflag:$0x8], $0x1F40, $0x38;
	[tilespmem:$0xA410] =	vst v63  }
0xb5: {  	_ =	swait.ge [sflag:s6], $0x1F40  }
0xb6: {  	[sflag:s6] =	ssyncset.done $0x0  }
0xb7: {  	[sflag:s6] =	ssyncadd.s32 $0xFFFFE0C0  }
0xb8: {  	[tilespmem:s9], [sflag:$0x2] =	stream.indirect.gather [hbm4b:s3+s12], $0x8, s25, s12, $0xb8;
	[tilespmem:$0xA410] =	vst v63  }
0xb9: {  	_ =	swait.ge [sflag:s20], $0x1F40  }
0xba: {  	[sflag:s20] =	ssyncset.done $0x0  }
0xbb: {  	[sflag:s20] =	ssyncadd.s32 $0xFFFFE0C0  }
0xbc: {  	[hbm4b:s10+s2] =	stream.linear.scatter [tilespmem:s18], [sflag:$0x9], $0x1F40, $0x38;
	[tilespmem:$0xA410] =	vst v63  }
0xbd: {  	_ =	swait.ge [sflag:s7], $0x1F40  }
0xbe: {  	[sflag:s7] =	ssyncset.done $0x0  }
0xbf: {  	[sflag:s7] =	ssyncadd.s32 $0xFFFFE0C0  }
0xc0: {  	[tilespmem:s8], [sflag:$0x3] =	stream.indirect.gather [hbm4b:s3+s12], $0x8, s23, s12, $0xb8;
	[tilespmem:$0xA410] =	vst v63  }
0xc1: {  	_ =	swait.ge [sflag:s13], $0x1F40  }
0xc2: {  	[sflag:s13] =	ssyncset.done $0x0  }
0xc3: {  	[sflag:s13] =	ssyncadd.s32 $0xFFFFE0C0  }
0xc4: {  	[hbm4b:s5+s2] =	stream.linear.scatter [tilespmem:s9], [sflag:$0x6], $0x1F40, $0x38;
	[tilespmem:$0xA410] =	vst v63  }
0xc5: {  	_ =	swait.ge [sflag:s11], $0x1F40  }
0xc6: {  	[sflag:s11] =	ssyncset.done $0x0  }
0xc7: {  	[sflag:s11] =	ssyncadd.s32 $0xFFFFE0C0  }
0xc8: {  	[hbm4b:s4+s2] =	stream.linear.scatter [tilespmem:s8], [sflag:$0x7], $0x1F40, $0x38;
	[tilespmem:$0xA410] =	vst v63  }
0xc9: {  	_ =	swait.ge [sflag:s16], $0x1F40  }
0xca: {  	[sflag:s16] =	ssyncset.done $0x0  }
0xcb: {  	[sflag:s16] =	ssyncadd.s32 $0xFFFFE0C0  }
0xcc: {  	_ =	swait.ge [sflag:s15], $0x1F40  }
0xcd: {  	[sflag:s15] =	ssyncset.done $0x0  }
0xce: {  	p1 =	sne.s32 s0, $0x1;
	[sflag:s15] =	ssyncadd.s32 $0xFFFFE0C0  }
.Ltmp2:
0xcf: {  	_ =	swait.ge [sflag:s6], $0x1F40;
	(pc) =	sbr.rel @p1 .LBB2_4-.Ltmp2, $4  }
0xd0: {  	[sflag:s6] =	ssyncset.done $0x0  }
0xd1: {  	[sflag:s6] =	ssyncadd.s32 $0xFFFFE0C0  }
0xd2: {  	_ =	swait.ge [sflag:s7], $0x1F40  }
0xd3: {  	s0 =	sadd.s32 $0xFFFFFFFF, s0;
	s1 =	rddreg [dreg:$0x6];
	[sflag:s7] =	ssyncset.done $0x0  }
0xd4: {  	s23 =	simm.s32 $0x7D0  }
0xd5: {  	s30 =	simm.s32 $0xBB8;
	s29 =	simm.s32 $0xFA0;
	s28 =	simm.s32 $0x1770  }
0xd6: {  	s26 =	simm.s32 $0x1B58;
	s25 =	simm.s32 $0x1F40;
	s22 =	rddreg [dreg:$0x5]  }
.LBB2_6:
0xd7: {  	[sflag:s7] =	ssyncadd.s32 @p0 $0xFFFFE0C0  }
0xd8: {  	[tilespmem:s2], [sflag:$0x1] =	stream.linear.gather [hbm4b:s1+s2], $0x1388, $0x38;
	[tilespmem:$0xA410] =	vst v63  }
0xd9: {  	s0 =	rddreg [dreg:$0x7]  }
0xda: {  	[tilespmem:s24], [sflag:$0x1] =	stream.linear.gather [hbm4b:s0+s2], $0x1388, $0x38;
	[tilespmem:$0xA410] =	vst v63  }
0xdb: {  	_ =	swait.ge [sflag:s31], $0x1388  }
0xdc: {  	[sflag:s31] =	ssyncset.done $0x0  }
0xdd: {  	[sflag:s31] =	ssyncadd.s32 $0xFFFFEC78  }
0xde: {  	_ =	swait.ge [sflag:s31], $0x1388  }
0xdf: {  	[sflag:s31] =	ssyncset.done $0x0  }
0xe0: {  	[sflag:s31] =	ssyncadd.s32 $0xFFFFEC78  }
0xe1: {  	[tilespmem:s9], [sflag:$0x2] =	stream.indirect.gather [hbm4b:s3+s12], $0x8, s2, s12, $0xb8;
	[tilespmem:$0xA410] =	vst v63  }
0xe2: {  	_ = 	snop  }
0xe3: {  	[tilespmem:s8], [sflag:$0x3] =	stream.indirect.gather [hbm4b:s3+s12], $0x8, s12, s12, $0xb8;
	[tilespmem:$0xA410] =	vst v63  }
0xe4: {  	_ =	swait.ge [sflag:s13], $0x1F40  }
0xe5: {  	[sflag:s13] =	ssyncset.done $0x0  }
0xe6: {  	s1 =	rddreg [dreg:$0x8];
	[sflag:s13] =	ssyncadd.s32 $0xFFFFE0C0  }
0xe7: {  	[hbm4b:s1+s2] =	stream.linear.scatter [tilespmem:s9], [sflag:$0x6], $0x1F40, $0x38;
	[tilespmem:$0xA410] =	vst v63  }
0xe8: {  	_ = 	snop  }
0xe9: {  	[tilespmem:s19], [sflag:$0x4] =	stream.indirect.gather [hbm4b:s3+s12], $0x8, s23, s12, $0xb8;
	[tilespmem:$0xA410] =	vst v63  }
0xea: {  	_ =	swait.ge [sflag:s11], $0x1F40  }
0xeb: {  	[sflag:s11] =	ssyncset.done $0x0  }
0xec: {  	s31 =	rddreg [dreg:$0x9];
	[sflag:s11] =	ssyncadd.s32 $0xFFFFE0C0  }
0xed: {  	[hbm4b:s31+s2] =	stream.linear.scatter [tilespmem:s8], [sflag:$0x7], $0x1F40, $0x38;
	[tilespmem:$0xA410] =	vst v63  }
0xee: {  	_ = 	snop  }
0xef: {  	[tilespmem:s18], [sflag:$0x5] =	stream.indirect.gather [hbm4b:s3+s12], $0x8, s30, s12, $0xb8;
	[tilespmem:$0xA410] =	vst v63  }
0xf0: {  	_ =	swait.ge [sflag:s21], $0x1F40  }
0xf1: {  	[sflag:s21] =	ssyncset.done $0x0  }
0xf2: {  	s1 =	rddreg [dreg:$0xa];
	[sflag:s21] =	ssyncadd.s32 $0xFFFFE0C0  }
0xf3: {  	[hbm4b:s1+s2] =	stream.linear.scatter [tilespmem:s19], [sflag:$0x8], $0x1F40, $0x38;
	[tilespmem:$0xA410] =	vst v63  }
0xf4: {  	_ =	swait.ge [sflag:s6], $0x1F40  }
0xf5: {  	[sflag:s6] =	ssyncset.done $0x0  }
0xf6: {  	[sflag:s6] =	ssyncadd.s32 $0xFFFFE0C0  }
0xf7: {  	[tilespmem:s9], [sflag:$0x2] =	stream.indirect.gather [hbm4b:s3+s12], $0x8, s29, s12, $0xb8;
	[tilespmem:$0xA410] =	vst v63  }
0xf8: {  	_ =	swait.ge [sflag:s20], $0x1F40  }
0xf9: {  	[sflag:s20] =	ssyncset.done $0x0  }
0xfa: {  	s23 =	rddreg [dreg:$0xb];
	[sflag:s20] =	ssyncadd.s32 $0xFFFFE0C0  }
0xfb: {  	[hbm4b:s23+s2] =	stream.linear.scatter [tilespmem:s18], [sflag:$0x9], $0x1F40, $0x38;
	[tilespmem:$0xA410] =	vst v63  }
0xfc: {  	_ =	swait.ge [sflag:s7], $0x1F40  }
0xfd: {  	[sflag:s7] =	ssyncset.done $0x0  }
0xfe: {  	[sflag:s7] =	ssyncadd.s32 $0xFFFFE0C0  }
0xff: {  	[tilespmem:s8], [sflag:$0x3] =	stream.indirect.gather [hbm4b:s3+s12], $0x8, s24, s12, $0xb8;
	[tilespmem:$0xA410] =	vst v63  }
0x100: {  	_ =	swait.ge [sflag:s13], $0x1F40  }
0x101: {  	[sflag:s13] =	ssyncset.done $0x0  }
0x102: {  	s29 =	rddreg [dreg:$0xc];
	[sflag:s13] =	ssyncadd.s32 $0xFFFFE0C0  }
0x103: {  	[hbm4b:s29+s2] =	stream.linear.scatter [tilespmem:s9], [sflag:$0x6], $0x1F40, $0x38;
	[tilespmem:$0xA410] =	vst v63  }
0x104: {  	_ =	swait.ge [sflag:s16], $0x1F40  }
0x105: {  	[sflag:s16] =	ssyncset.done $0x0  }
0x106: {  	[sflag:s16] =	ssyncadd.s32 $0xFFFFE0C0  }
0x107: {  	[tilespmem:s19], [sflag:$0x4] =	stream.indirect.gather [hbm4b:s3+s12], $0x8, s28, s12, $0xb8;
	[tilespmem:$0xA410] =	vst v63  }
0x108: {  	_ =	swait.ge [sflag:s11], $0x1F40  }
0x109: {  	[sflag:s11] =	ssyncset.done $0x0  }
0x10a: {  	[sflag:s11] =	ssyncadd.s32 $0xFFFFE0C0  }
0x10b: {  	[hbm4b:s17+s2] =	stream.linear.scatter [tilespmem:s8], [sflag:$0x7], $0x1F40, $0x38;
	[tilespmem:$0xA410] =	vst v63  }
0x10c: {  	_ =	swait.ge [sflag:s15], $0x1F40  }
0x10d: {  	[sflag:s15] =	ssyncset.done $0x0  }
0x10e: {  	[sflag:s15] =	ssyncadd.s32 $0xFFFFE0C0  }
0x10f: {  	[tilespmem:s18], [sflag:$0x5] =	stream.indirect.gather [hbm4b:s3+s12], $0x8, s26, s12, $0xb8;
	[tilespmem:$0xA410] =	vst v63  }
0x110: {  	_ =	swait.ge [sflag:s21], $0x1F40  }
0x111: {  	[sflag:s21] =	ssyncset.done $0x0  }
0x112: {  	[sflag:s21] =	ssyncadd.s32 $0xFFFFE0C0  }
0x113: {  	[hbm4b:s14+s2] =	stream.linear.scatter [tilespmem:s19], [sflag:$0x8], $0x1F40, $0x38;
	[tilespmem:$0xA410] =	vst v63  }
0x114: {  	_ =	swait.ge [sflag:s6], $0x1F40  }
0x115: {  	[sflag:s6] =	ssyncset.done $0x0  }
0x116: {  	[sflag:s6] =	ssyncadd.s32 $0xFFFFE0C0  }
0x117: {  	[tilespmem:s9], [sflag:$0x2] =	stream.indirect.gather [hbm4b:s3+s12], $0x8, s25, s12, $0xb8;
	[tilespmem:$0xA410] =	vst v63  }
0x118: {  	_ =	swait.ge [sflag:s20], $0x1F40  }
0x119: {  	[sflag:s20] =	ssyncset.done $0x0  }
0x11a: {  	[sflag:s20] =	ssyncadd.s32 $0xFFFFE0C0  }
0x11b: {  	[hbm4b:s10+s2] =	stream.linear.scatter [tilespmem:s18], [sflag:$0x9], $0x1F40, $0x38;
	[tilespmem:$0xA410] =	vst v63  }
0x11c: {  	_ =	swait.ge [sflag:s7], $0x1F40  }
0x11d: {  	[sflag:s7] =	ssyncset.done $0x0  }
0x11e: {  	s30 =	simm.s32 $0x2328;
	[sflag:s7] =	ssyncadd.s32 $0xFFFFE0C0  }
0x11f: {  	[tilespmem:s8], [sflag:$0x3] =	stream.indirect.gather [hbm4b:s3+s12], $0x8, s30, s12, $0xb8;
	[tilespmem:$0xA410] =	vst v63  }
0x120: {  	_ =	swait.ge [sflag:s13], $0x1F40  }
0x121: {  	[sflag:s13] =	ssyncset.done $0x0  }
0x122: {  	[sflag:s13] =	ssyncadd.s32 $0xFFFFE0C0  }
0x123: {  	[hbm4b:s5+s2] =	stream.linear.scatter [tilespmem:s9], [sflag:$0x6], $0x1F40, $0x38;
	[tilespmem:$0xA410] =	vst v63  }
0x124: {  	_ =	swait.ge [sflag:s11], $0x1F40  }
0x125: {  	[sflag:s11] =	ssyncset.done $0x0  }
0x126: {  	[sflag:s11] =	ssyncadd.s32 $0xFFFFE0C0  }
0x127: {  	[hbm4b:s4+s2] =	stream.linear.scatter [tilespmem:s8], [sflag:$0x7], $0x1F40, $0x38;
	[tilespmem:$0xA410] =	vst v63  }
0x128: {  	_ =	swait.ge [sflag:s16], $0x1F40  }
0x129: {  	[sflag:s16] =	ssyncset.done $0x0  }
0x12a: {  	[sflag:s16] =	ssyncadd.s32 $0xFFFFE0C0  }
0x12b: {  	_ =	swait.ge [sflag:s15], $0x1F40  }
0x12c: {  	[sflag:s15] =	ssyncset.done $0x0  }
0x12d: {  	[sflag:s15] =	ssyncadd.s32 $0xFFFFE0C0  }
0x12e: {  	_ =	swait.ge [sflag:s6], $0x1F40  }
0x12f: {  	[sflag:s6] =	ssyncset.done $0x0  }
0x130: {  	[sflag:s6] =	ssyncadd.s32 $0xFFFFE0C0  }
0x131: {  	_ =	swait.ge [sflag:s7], $0x1F40  }
0x132: {  	[sflag:s7] =	ssyncset.done $0x0  }
0x133: {  	[sflag:s7] =	ssyncadd.s32 $0xFFFFE0C0  }
0x134: {  	_ =	sfence.sel $0x180000  }
0x135: {  	s31 =	stileid.u32;
	[bflag:$0x0] =	sbarrier.arrive $0xFFFF  }
0x136: {  	p0 =	sne.s32 s31, $0x0;
	_ =	strace $0x90000047  }
0x137: {  	s0 =	sadd.s32 @!p0 $0x100000, s22;
	[bflag:$0x2] =	sbarrier.arrive $0xFFFF  }
0x138: {  	[sflag:s0] =	ssyncadd.tile.s32 @!p0 $0x1;
	_ =	shalt  }
.LBB2_1:
.Ltmp3:
0x139: {  	(pc) =	sbr.rel .LBB2_6-.Ltmp3, $3  }
0x13a: {  	_ =	sdelay $0x1  }
0x13b: {  	s23 =	simm.s32 $0x7D0;
	s30 =	simm.s32 $0xBB8;
	s29 =	simm.s32 $0xFA0  }
0x13c: {  	s28 =	simm.s32 $0x1770;
	s26 =	simm.s32 $0x1B58;
	s25 =	simm.s32 $0x1F40  }
.LBB2_3:
.Ltmp4:
0x13d: {  	(pc) =	sbr.rel .LBB2_6-.Ltmp4, $4  }
0x13e: {  	_ = 	snop  }
0x13f: {  	s23 =	simm.s32 $0x7D0  }
0x140: {  	s30 =	simm.s32 $0xBB8;
	s29 =	simm.s32 $0xFA0;
	s28 =	simm.s32 $0x1770  }
0x141: {  	s26 =	simm.s32 $0x1B58;
	s25 =	simm.s32 $0x1F40;
	s22 =	rddreg [dreg:$0x5]  }
.Lfunc_end2:
_tile_overlayer_lowered:
.L_overlay_start_2:
0x142: {  	(tag) =	ssettag $0x2  }
0x143: {  	s0 =	rddreg [dreg:$0x0];
	s2 =	stileid.u32  }
0x144: {  	s1 =	rddreg [dreg:$0x1];
	p0 =	sne.s32 s2, $0x0  }
0x145: {  	s3 =	rddreg [dreg:$0x2];
	[bflag:$0x3] =	sbarrier.arrive $0xFFFF;
	s2 =	simm.s32 @!p0 $0x1C0A  }
0x146: {  	[timem:s3], [sflag:s2] =	dma.local @!p0 [hbm:s0], s1  }
0x147: {  	s0 =	simm.s32 @!p0 $0xA  }
0x148: {  	_ =	swait.ge @!p0 [sflag:s0], s1  }
0x149: {  	s1 =	ssub.s32 @!p0 $0x0, s1;
	[sflag:s0] =	ssyncset.done @!p0 $0x0  }
0x14a: {  	[sflag:s0] =	ssyncadd.s32 @!p0 s1  }
0x14b: {  	[bflag:$0x3] =	sbarrier.arrive $0xFFFF  }
0x14c: {  	_ =	shalt  }

</sc_bundles>
